<compile_context>
chip_gen: v7x
topology: tpu7x:2x2x1
jax: 0.10.2.dev20260603
libtpu: 0.0.44.dev20260713+nightly
codegen_flags: <defaults>
</compile_context>

<pallas_src>
import functools

import jax
import jax.numpy as jnp
from jax import lax
from jax.experimental import pallas as pl
from jax.experimental.pallas import tpu as pltpu
from jax.experimental.pallas import tpu_sc as plsc

N_NODES = 50000
N_EDGES = 1600000
D_EDGE = 16
NUM_GRAPHS = 128

_info = plsc.get_sparse_core_info()
_NC = _info.num_cores
_NS = _info.num_subcores
_L = _info.num_lanes
_NW = _NC * _NS
_C = 512
_EROWS = 2 * _C // 128
_NCHUNK = N_EDGES // _C
_TLO = _NCHUNK // _NW
_TREM = _NCHUNK % _NW
_NBUF = 2


def _sc_body(ei_hbm, attr_hbm, batch_hbm, sums_hbm, cnts_hbm,
             batch_v, ev_v, attr_v, acc_v, cnt_v, sem_ev, sem_at):
    wid = lax.axis_index("s") * _NC + lax.axis_index("c")
    nt = _TLO + (wid < _TREM).astype(jnp.int32)

    pltpu.sync_copy(batch_hbm, batch_v)

    zeros = jnp.zeros((_L,), jnp.float32)

    def zrow(d, carry):
        for q in range(NUM_GRAPHS // _L):
            acc_v[d, pl.ds(q * _L, _L)] = zeros
        return carry
    lax.fori_loop(0, D_EDGE, zrow, 0)
    for q in range(NUM_GRAPHS // _L):
        cnt_v[pl.ds(q * _L, _L)] = zeros

    ones = jnp.ones((_L,), jnp.float32)
    dsplat = [jnp.full((_L,), d, jnp.int32) for d in range(D_EDGE)]

    def issue(t, b):
        ci = t * _NW + wid
        pltpu.async_copy(ei_hbm.at[:, pl.ds(ci * _C, _C)],
                         ev_v.at[b], sem_ev.at[b])
        pltpu.async_copy(attr_hbm.at[:, pl.ds(ci * _C, _C)],
                         attr_v.at[b], sem_at.at[b])

    def wait(t, b):
        ci = t * _NW + wid
        pltpu.make_async_copy(ei_hbm.at[:, pl.ds(ci * _C, _C)],
                              ev_v.at[b], sem_ev.at[b]).wait()
        pltpu.make_async_copy(attr_hbm.at[:, pl.ds(ci * _C, _C)],
                              attr_v.at[b], sem_at.at[b]).wait()

    def process(b):
        @plsc.parallel_loop(0, _C // _L, unroll=2)
        def grp(k):
            sv = ev_v[b, 0, pl.ds(k * _L, _L)]
            gb = plsc.load_gather(batch_v, [sv])
            plsc.addupdate_scatter(cnt_v, [gb], ones)
            for d in range(D_EDGE):
                col = attr_v[b, d, pl.ds(k * _L, _L)]
                plsc.addupdate_scatter(acc_v, [dsplat[d], gb], col)

    for b in range(_NBUF):
        issue(b, b)

    def ring(tp, carry):
        for b in range(_NBUF):
            t = _NBUF * tp + b

            @pl.when(t < nt)
            def _():
                wait(t, b)
                process(b)

                @pl.when(t + _NBUF < nt)
                def _():
                    issue(t + _NBUF, b)
        return carry
    lax.fori_loop(0, (_TLO + _NBUF) // _NBUF, ring, 0)

    pltpu.sync_copy(acc_v, sums_hbm.at[wid])
    pltpu.sync_copy(cnt_v, cnts_hbm.at[wid])


_sc_pool = functools.partial(
    pl.kernel,
    mesh=plsc.VectorSubcoreMesh(core_axis_name="c", subcore_axis_name="s"),
    compiler_params=pltpu.CompilerParams(needs_layout_passes=False),
    out_type=[
        jax.ShapeDtypeStruct((_NW, D_EDGE, NUM_GRAPHS), jnp.float32),
        jax.ShapeDtypeStruct((_NW, NUM_GRAPHS), jnp.float32),
    ],
    scratch_types=[
        pltpu.VMEM((N_NODES,), jnp.int32),
        pltpu.VMEM((_NBUF, 2, _C), jnp.int32),
        pltpu.VMEM((_NBUF, D_EDGE, _C), jnp.float32),
        pltpu.VMEM((D_EDGE, NUM_GRAPHS), jnp.float32),
        pltpu.VMEM((NUM_GRAPHS,), jnp.float32),
        pltpu.SemaphoreType.DMA((_NBUF,)),
        pltpu.SemaphoreType.DMA((_NBUF,)),
    ],
)(_sc_body)


def _fin_body(sums_ref, cnts_ref, out_ref):
    s = jnp.sum(sums_ref[...], axis=0)
    c = jnp.sum(cnts_ref[...], axis=0)[None, :]
    m = jnp.where(c > 0, s / jnp.maximum(c, 1.0), 0.0)
    out_ref[...] = m.T


_finalize = pl.pallas_call(
    _fin_body,
    out_shape=jax.ShapeDtypeStruct((NUM_GRAPHS, D_EDGE), jnp.float32),
)


@jax.jit
def kernel(edge_index, edge_attr, batch):
    attr_t = edge_attr.T
    sums, cnts = _sc_pool(edge_index.astype(jnp.int32), attr_t,
                          batch.astype(jnp.int32))
    return _finalize(sums, cnts)

# --- scband reference (transcript-rebuilt; emitter-appended) ---
"""Pipeline reference for scband-basic-edge-pool-10582799417473 (READ-ONLY COPY).

The authoritative reference and input builder live on the scoring server;
editing this copy changes nothing except your own understanding.
"""

import jax, jax.numpy as jnp
import numpy as np

N_NODES = 50000
N_EDGES = 1600000
D_EDGE = 16
NUM_GRAPHS = 128
REDUCE = "mean"

def setup_inputs(seed: int = 0) -> dict:
    key = jax.random.key(seed)
    k1, k2, k3 = jax.random.split(key, 3)
    edge_index = jax.random.randint(k1, (2, N_EDGES), 0, N_NODES, dtype=jnp.int64)
    edge_attr = jax.random.normal(k2, (N_EDGES, D_EDGE), dtype=jnp.float32)
    batch = jnp.sort(jax.random.randint(k3, (N_NODES,), 0, NUM_GRAPHS, dtype=jnp.int64))
    return {"edge_index": edge_index, "edge_attr": edge_attr, "batch": batch}

def reference(edge_index, edge_attr, batch):
    # edge_batch[e] = graph id of the source node of edge e
    edge_batch = jnp.take(batch, edge_index[0], axis=0)
    # scatter(edge_attr, edge_batch, dim=0, reduce='mean')
    sums = jax.ops.segment_sum(edge_attr, edge_batch, num_segments=NUM_GRAPHS)
    counts = jax.ops.segment_sum(
        jnp.ones((edge_attr.shape[0],), dtype=edge_attr.dtype),
        edge_batch,
        num_segments=NUM_GRAPHS,
    )
    counts = counts[:, None]
    out = jnp.where(counts > 0, sums / jnp.maximum(counts, 1.0), 0.0)
    return out

if __name__ == "__main__":
    import jax
    _d = setup_inputs()
    print(jax.jit(kernel)(*tuple(_d.values())))

</pallas_src>

<mosaic_0001>
#map = affine_map<(d0, d1) -> (0, 0)>
#map1 = affine_map<(d0, d1) -> (0)>
#map2 = affine_map<(d0, d1) -> (0, 0, 0)>
module attributes {stable_mosaic.version = 14 : i64} {
  func.func @_sc_body(%arg0: i32, %arg1: i32, %arg2: memref<2x1600000xi32, #tpu.memory_space<hbm>>, %arg3: memref<16x1600000xf32, #tpu.memory_space<hbm>>, %arg4: memref<50000xi32, #tpu.memory_space<hbm>>, %arg5: memref<32x16x128xf32, #tpu.memory_space<hbm>>, %arg6: memref<32x128xf32, #tpu.memory_space<hbm>>, %arg7: memref<50000xi32, #tpu.memory_space<vmem>>, %arg8: memref<2x2x512xi32, #tpu.memory_space<vmem>>, %arg9: memref<2x16x512xf32, #tpu.memory_space<vmem>>, %arg10: memref<16x128xf32, #tpu.memory_space<vmem>>, %arg11: memref<128xf32, #tpu.memory_space<vmem>>, %arg12: memref<2x!tpu.dma_semaphore, #tpu.memory_space<semaphore_mem>>, %arg13: memref<2x!tpu.dma_semaphore, #tpu.memory_space<semaphore_mem>>) attributes {dimension_semantics = [#tpu.dimension_semantics<core_parallel>, #tpu.dimension_semantics<subcore_parallel>], iteration_bounds = array<i64: 2, 16>, scalar_prefetch = 0 : i64, scratch_operands = 7 : i64, tpu.core_type = #tpu.core_type<sc_vector_subcore>, window_params = [{transform_indices = #map}, {transform_indices = #map}, {transform_indices = #map1}, {transform_indices = #map2}, {transform_indices = #map}]} {
    %mul3A = arith.constant 2 : i32
    %mul3A_0 = arith.muli %arg1, %mul3A : i32
    %add3A = arith.addi %mul3A_0, %arg0 : i32
    %lt3A = arith.constant 21 : i32
    %lt3A_1 = arith.cmpi slt, %add3A, %lt3A : i32
    %convert_element_type3A = arith.extui %lt3A_1 : i1 to i32
    %add3A_2 = arith.constant 97 : i32
    %add3A_3 = arith.addi %add3A_2, %convert_element_type3A : i32
    "tpu.region"() ({
      %run_scoped3A = tpu.sem_alloc : memref<!tpu.dma_semaphore, #tpu.memory_space<semaphore_mem>>
      tpu.enqueue_dma source(%arg4 : memref<50000xi32, #tpu.memory_space<hbm>>) target(%arg7 : memref<50000xi32, #tpu.memory_space<vmem>>) target_semaphore(%run_scoped3A : memref<!tpu.dma_semaphore, #tpu.memory_space<semaphore_mem>>)
      tpu.wait_dma2 semaphore(%run_scoped3A : memref<!tpu.dma_semaphore, #tpu.memory_space<semaphore_mem>>) src(%arg4 : memref<50000xi32, #tpu.memory_space<hbm>>) dst(%arg7 : memref<50000xi32, #tpu.memory_space<vmem>>)
      tpu.yield
    }) : () -> ()
    %broadcast_in_dim3A = arith.constant 0.000000e+00 : f32
    %broadcast_in_dim3A_4 = vector.broadcast %broadcast_in_dim3A : f32 to vector<16xf32>
    %scan3A = arith.constant 0 : i32
    %scan3A_5 = arith.constant 0 : i32
    %scan3A_6 = arith.constant 16 : i32
    %scan3A_7 = arith.addi %scan3A_5, %scan3A_6 : i32
    %scan3A_8 = arith.constant 1 : i32
    scf.for %scan3A_140 = %scan3A_5 to %scan3A_7 step %scan3A_8  : i32 {
      %swap3A_141 = arith.index_cast %scan3A_140 : i32 to index
      %swap3A_142 = arith.constant 0 : index
      %swap3A_143 = tpu.vector_load %arg10[%swap3A_141, %swap3A_142] {strides = array<i32>} : memref<16x128xf32, #tpu.memory_space<vmem>>, vector<16xf32>,
      tpu.vector_store %arg10[%swap3A_141, %swap3A_142], %broadcast_in_dim3A_4 {strides = array<i32>} : memref<16x128xf32, #tpu.memory_space<vmem>>, vector<16xf32>,
      %swap3A_144 = arith.index_cast %scan3A_140 : i32 to index
      %swap3A_145 = arith.constant 16 : index
      %swap3A_146 = tpu.vector_load %arg10[%swap3A_144, %swap3A_145] {strides = array<i32>} : memref<16x128xf32, #tpu.memory_space<vmem>>, vector<16xf32>,
      tpu.vector_store %arg10[%swap3A_144, %swap3A_145], %broadcast_in_dim3A_4 {strides = array<i32>} : memref<16x128xf32, #tpu.memory_space<vmem>>, vector<16xf32>,
      %swap3A_147 = arith.index_cast %scan3A_140 : i32 to index
      %swap3A_148 = arith.constant 32 : index
      %swap3A_149 = tpu.vector_load %arg10[%swap3A_147, %swap3A_148] {strides = array<i32>} : memref<16x128xf32, #tpu.memory_space<vmem>>, vector<16xf32>,
      tpu.vector_store %arg10[%swap3A_147, %swap3A_148], %broadcast_in_dim3A_4 {strides = array<i32>} : memref<16x128xf32, #tpu.memory_space<vmem>>, vector<16xf32>,
      %swap3A_150 = arith.index_cast %scan3A_140 : i32 to index
      %swap3A_151 = arith.constant 48 : index
      %swap3A_152 = tpu.vector_load %arg10[%swap3A_150, %swap3A_151] {strides = array<i32>} : memref<16x128xf32, #tpu.memory_space<vmem>>, vector<16xf32>,
      tpu.vector_store %arg10[%swap3A_150, %swap3A_151], %broadcast_in_dim3A_4 {strides = array<i32>} : memref<16x128xf32, #tpu.memory_space<vmem>>, vector<16xf32>,
      %swap3A_153 = arith.index_cast %scan3A_140 : i32 to index
      %swap3A_154 = arith.constant 64 : index
      %swap3A_155 = tpu.vector_load %arg10[%swap3A_153, %swap3A_154] {strides = array<i32>} : memref<16x128xf32, #tpu.memory_space<vmem>>, vector<16xf32>,
      tpu.vector_store %arg10[%swap3A_153, %swap3A_154], %broadcast_in_dim3A_4 {strides = array<i32>} : memref<16x128xf32, #tpu.memory_space<vmem>>, vector<16xf32>,
      %swap3A_156 = arith.index_cast %scan3A_140 : i32 to index
      %swap3A_157 = arith.constant 80 : index
      %swap3A_158 = tpu.vector_load %arg10[%swap3A_156, %swap3A_157] {strides = array<i32>} : memref<16x128xf32, #tpu.memory_space<vmem>>, vector<16xf32>,
      tpu.vector_store %arg10[%swap3A_156, %swap3A_157], %broadcast_in_dim3A_4 {strides = array<i32>} : memref<16x128xf32, #tpu.memory_space<vmem>>, vector<16xf32>,
      %swap3A_159 = arith.index_cast %scan3A_140 : i32 to index
      %swap3A_160 = arith.constant 96 : index
      %swap3A_161 = tpu.vector_load %arg10[%swap3A_159, %swap3A_160] {strides = array<i32>} : memref<16x128xf32, #tpu.memory_space<vmem>>, vector<16xf32>,
      tpu.vector_store %arg10[%swap3A_159, %swap3A_160], %broadcast_in_dim3A_4 {strides = array<i32>} : memref<16x128xf32, #tpu.memory_space<vmem>>, vector<16xf32>,
      %swap3A_162 = arith.index_cast %scan3A_140 : i32 to index
      %swap3A_163 = arith.constant 112 : index
      %swap3A_164 = tpu.vector_load %arg10[%swap3A_162, %swap3A_163] {strides = array<i32>} : memref<16x128xf32, #tpu.memory_space<vmem>>, vector<16xf32>,
      tpu.vector_store %arg10[%swap3A_162, %swap3A_163], %broadcast_in_dim3A_4 {strides = array<i32>} : memref<16x128xf32, #tpu.memory_space<vmem>>, vector<16xf32>,
    }
    %scan3A_9 = arith.constant 16 : i32
    %swap3A = arith.constant 0 : index
    %swap3A_10 = tpu.vector_load %arg11[%swap3A] {strides = array<i32>} : memref<128xf32, #tpu.memory_space<vmem>>, vector<16xf32>,
    tpu.vector_store %arg11[%swap3A], %broadcast_in_dim3A_4 {strides = array<i32>} : memref<128xf32, #tpu.memory_space<vmem>>, vector<16xf32>,
    %swap3A_11 = arith.constant 16 : index
    %swap3A_12 = tpu.vector_load %arg11[%swap3A_11] {strides = array<i32>} : memref<128xf32, #tpu.memory_space<vmem>>, vector<16xf32>,
    tpu.vector_store %arg11[%swap3A_11], %broadcast_in_dim3A_4 {strides = array<i32>} : memref<128xf32, #tpu.memory_space<vmem>>, vector<16xf32>,
    %swap3A_13 = arith.constant 32 : index
    %swap3A_14 = tpu.vector_load %arg11[%swap3A_13] {strides = array<i32>} : memref<128xf32, #tpu.memory_space<vmem>>, vector<16xf32>,
    tpu.vector_store %arg11[%swap3A_13], %broadcast_in_dim3A_4 {strides = array<i32>} : memref<128xf32, #tpu.memory_space<vmem>>, vector<16xf32>,
    %swap3A_15 = arith.constant 48 : index
    %swap3A_16 = tpu.vector_load %arg11[%swap3A_15] {strides = array<i32>} : memref<128xf32, #tpu.memory_space<vmem>>, vector<16xf32>,
    tpu.vector_store %arg11[%swap3A_15], %broadcast_in_dim3A_4 {strides = array<i32>} : memref<128xf32, #tpu.memory_space<vmem>>, vector<16xf32>,
    %swap3A_17 = arith.constant 64 : index
    %swap3A_18 = tpu.vector_load %arg11[%swap3A_17] {strides = array<i32>} : memref<128xf32, #tpu.memory_space<vmem>>, vector<16xf32>,
    tpu.vector_store %arg11[%swap3A_17], %broadcast_in_dim3A_4 {strides = array<i32>} : memref<128xf32, #tpu.memory_space<vmem>>, vector<16xf32>,
    %swap3A_19 = arith.constant 80 : index
    %swap3A_20 = tpu.vector_load %arg11[%swap3A_19] {strides = array<i32>} : memref<128xf32, #tpu.memory_space<vmem>>, vector<16xf32>,
    tpu.vector_store %arg11[%swap3A_19], %broadcast_in_dim3A_4 {strides = array<i32>} : memref<128xf32, #tpu.memory_space<vmem>>, vector<16xf32>,
    %swap3A_21 = arith.constant 96 : index
    %swap3A_22 = tpu.vector_load %arg11[%swap3A_21] {strides = array<i32>} : memref<128xf32, #tpu.memory_space<vmem>>, vector<16xf32>,
    tpu.vector_store %arg11[%swap3A_21], %broadcast_in_dim3A_4 {strides = array<i32>} : memref<128xf32, #tpu.memory_space<vmem>>, vector<16xf32>,
    %swap3A_23 = arith.constant 112 : index
    %swap3A_24 = tpu.vector_load %arg11[%swap3A_23] {strides = array<i32>} : memref<128xf32, #tpu.memory_space<vmem>>, vector<16xf32>,
    tpu.vector_store %arg11[%swap3A_23], %broadcast_in_dim3A_4 {strides = array<i32>} : memref<128xf32, #tpu.memory_space<vmem>>, vector<16xf32>,
    %broadcast_in_dim3A_25 = arith.constant 1.000000e+00 : f32
    %broadcast_in_dim3A_26 = vector.broadcast %broadcast_in_dim3A_25 : f32 to vector<16xf32>
    %broadcast_in_dim3A_27 = arith.constant 0 : i32
    %broadcast_in_dim3A_28 = vector.broadcast %broadcast_in_dim3A_27 : i32 to vector<16xi32>
    %broadcast_in_dim3A_29 = arith.constant 1 : i32
    %broadcast_in_dim3A_30 = vector.broadcast %broadcast_in_dim3A_29 : i32 to vector<16xi32>
    %broadcast_in_dim3A_31 = arith.constant 2 : i32
    %broadcast_in_dim3A_32 = vector.broadcast %broadcast_in_dim3A_31 : i32 to vector<16xi32>
    %broadcast_in_dim3A_33 = arith.constant 3 : i32
    %broadcast_in_dim3A_34 = vector.broadcast %broadcast_in_dim3A_33 : i32 to vector<16xi32>
    %broadcast_in_dim3A_35 = arith.constant 4 : i32
    %broadcast_in_dim3A_36 = vector.broadcast %broadcast_in_dim3A_35 : i32 to vector<16xi32>
    %broadcast_in_dim3A_37 = arith.constant 5 : i32
    %broadcast_in_dim3A_38 = vector.broadcast %broadcast_in_dim3A_37 : i32 to vector<16xi32>
    %broadcast_in_dim3A_39 = arith.constant 6 : i32
    %broadcast_in_dim3A_40 = vector.broadcast %broadcast_in_dim3A_39 : i32 to vector<16xi32>
    %broadcast_in_dim3A_41 = arith.constant 7 : i32
    %broadcast_in_dim3A_42 = vector.broadcast %broadcast_in_dim3A_41 : i32 to vector<16xi32>
    %broadcast_in_dim3A_43 = arith.constant 8 : i32
    %broadcast_in_dim3A_44 = vector.broadcast %broadcast_in_dim3A_43 : i32 to vector<16xi32>
    %broadcast_in_dim3A_45 = arith.constant 9 : i32
    %broadcast_in_dim3A_46 = vector.broadcast %broadcast_in_dim3A_45 : i32 to vector<16xi32>
    %broadcast_in_dim3A_47 = arith.constant 10 : i32
    %broadcast_in_dim3A_48 = vector.broadcast %broadcast_in_dim3A_47 : i32 to vector<16xi32>
    %broadcast_in_dim3A_49 = arith.constant 11 : i32
    %broadcast_in_dim3A_50 = vector.broadcast %broadcast_in_dim3A_49 : i32 to vector<16xi32>
    %broadcast_in_dim3A_51 = arith.constant 12 : i32
    %broadcast_in_dim3A_52 = vector.broadcast %broadcast_in_dim3A_51 : i32 to vector<16xi32>
    %broadcast_in_dim3A_53 = arith.constant 13 : i32
    %broadcast_in_dim3A_54 = vector.broadcast %broadcast_in_dim3A_53 : i32 to vector<16xi32>
    %broadcast_in_dim3A_55 = arith.constant 14 : i32
    %broadcast_in_dim3A_56 = vector.broadcast %broadcast_in_dim3A_55 : i32 to vector<16xi32>
    %broadcast_in_dim3A_57 = arith.constant 15 : i32
    %broadcast_in_dim3A_58 = vector.broadcast %broadcast_in_dim3A_57 : i32 to vector<16xi32>
    %add3A_59 = arith.constant 0 : i32
    %add3A_60 = arith.addi %add3A_59, %add3A : i32
    %mul3A_61 = arith.constant 512 : i32
    %mul3A_62 = arith.muli %add3A_60, %mul3A_61 : i32
    %dma_start3A = arith.constant 0 : i32
    %dma_start3A_63 = arith.constant 0 : i32
    %dma_start3A_64 = arith.constant 0 : i32
    %dma_start3A_65 = arith.constant 0 : i32
    %dma_start3A_66 = tpu.memref_slice %arg8[%dma_start3A, %dma_start3A_64, %dma_start3A_65] : memref<2x2x512xi32, #tpu.memory_space<vmem>> -> memref<1x2x512xi32, #tpu.memory_space<vmem>>
    %dma_start3A_67 = tpu.memref_squeeze %dma_start3A_66 : memref<1x2x512xi32, #tpu.memory_space<vmem>> -> memref<2x512xi32, #tpu.memory_space<vmem>>
    %dma_start3A_68 = arith.constant 0 : i32
    %dma_start3A_69 = tpu.memref_slice %arg2[%dma_start3A_68, %mul3A_62] : memref<2x1600000xi32, #tpu.memory_space<hbm>> -> memref<2x512xi32, #tpu.memory_space<hbm>>
    %dma_start3A_70 = tpu.memref_slice %arg12[%dma_start3A_63] : memref<2x!tpu.dma_semaphore, #tpu.memory_space<semaphore_mem>> -> memref<1x!tpu.dma_semaphore, #tpu.memory_space<semaphore_mem>>
    %dma_start3A_71 = tpu.memref_squeeze %dma_start3A_70 : memref<1x!tpu.dma_semaphore, #tpu.memory_space<semaphore_mem>> -> memref<!tpu.dma_semaphore, #tpu.memory_space<semaphore_mem>>
    %dma_start3A_72 = arith.constant 0 : i32
    %dma_start3A_73 = arith.constant 0 : i32
    %dma_start3A_74 = tpu.memref_slice %arg8[%dma_start3A, %dma_start3A_72, %dma_start3A_73] : memref<2x2x512xi32, #tpu.memory_space<vmem>> -> memref<1x2x512xi32, #tpu.memory_space<vmem>>
    %dma_start3A_75 = tpu.memref_squeeze %dma_start3A_74 : memref<1x2x512xi32, #tpu.memory_space<vmem>> -> memref<2x512xi32, #tpu.memory_space<vmem>>
    %dma_start3A_76 = arith.constant 0 : i32
    %dma_start3A_77 = tpu.memref_slice %arg2[%dma_start3A_76, %mul3A_62] : memref<2x1600000xi32, #tpu.memory_space<hbm>> -> memref<2x512xi32, #tpu.memory_space<hbm>>
    tpu.enqueue_dma source(%dma_start3A_77 : memref<2x512xi32, #tpu.memory_space<hbm>>) target(%dma_start3A_75 : memref<2x512xi32, #tpu.memory_space<vmem>>) target_semaphore(%dma_start3A_71 : memref<!tpu.dma_semaphore, #tpu.memory_space<semaphore_mem>>)
    %mul3A_78 = arith.constant 512 : i32
    %mul3A_79 = arith.muli %add3A_60, %mul3A_78 : i32
    %dma_start3A_80 = arith.constant 0 : i32
    %dma_start3A_81 = arith.constant 0 : i32
    %dma_start3A_82 = arith.constant 0 : i32
    %dma_start3A_83 = arith.constant 0 : i32
    %dma_start3A_84 = tpu.memref_slice %arg9[%dma_start3A_80, %dma_start3A_82, %dma_start3A_83] : memref<2x16x512xf32, #tpu.memory_space<vmem>> -> memref<1x16x512xf32, #tpu.memory_space<vmem>>
    %dma_start3A_85 = tpu.memref_squeeze %dma_start3A_84 : memref<1x16x512xf32, #tpu.memory_space<vmem>> -> memref<16x512xf32, #tpu.memory_space<vmem>>
    %dma_start3A_86 = arith.constant 0 : i32
    %dma_start3A_87 = tpu.memref_slice %arg3[%dma_start3A_86, %mul3A_79] : memref<16x1600000xf32, #tpu.memory_space<hbm>> -> memref<16x512xf32, #tpu.memory_space<hbm>>
    %dma_start3A_88 = tpu.memref_slice %arg13[%dma_start3A_81] : memref<2x!tpu.dma_semaphore, #tpu.memory_space<semaphore_mem>> -> memref<1x!tpu.dma_semaphore, #tpu.memory_space<semaphore_mem>>
    %dma_start3A_89 = tpu.memref_squeeze %dma_start3A_88 : memref<1x!tpu.dma_semaphore, #tpu.memory_space<semaphore_mem>> -> memref<!tpu.dma_semaphore, #tpu.memory_space<semaphore_mem>>
    %dma_start3A_90 = arith.constant 0 : i32
    %dma_start3A_91 = arith.constant 0 : i32
    %dma_start3A_92 = tpu.memref_slice %arg9[%dma_start3A_80, %dma_start3A_90, %dma_start3A_91] : memref<2x16x512xf32, #tpu.memory_space<vmem>> -> memref<1x16x512xf32, #tpu.memory_space<vmem>>
    %dma_start3A_93 = tpu.memref_squeeze %dma_start3A_92 : memref<1x16x512xf32, #tpu.memory_space<vmem>> -> memref<16x512xf32, #tpu.memory_space<vmem>>
    %dma_start3A_94 = arith.constant 0 : i32
    %dma_start3A_95 = tpu.memref_slice %arg3[%dma_start3A_94, %mul3A_79] : memref<16x1600000xf32, #tpu.memory_space<hbm>> -> memref<16x512xf32, #tpu.memory_space<hbm>>
    tpu.enqueue_dma source(%dma_start3A_95 : memref<16x512xf32, #tpu.memory_space<hbm>>) target(%dma_start3A_93 : memref<16x512xf32, #tpu.memory_space<vmem>>) target_semaphore(%dma_start3A_89 : memref<!tpu.dma_semaphore, #tpu.memory_space<semaphore_mem>>)
    %add3A_96 = arith.constant 32 : i32
    %add3A_97 = arith.addi %add3A_96, %add3A : i32
    %mul3A_98 = arith.constant 512 : i32
    %mul3A_99 = arith.muli %add3A_97, %mul3A_98 : i32
    %dma_start3A_100 = arith.constant 1 : i32
    %dma_start3A_101 = arith.constant 1 : i32
    %dma_start3A_102 = arith.constant 0 : i32
    %dma_start3A_103 = arith.constant 0 : i32
    %dma_start3A_104 = tpu.memref_slice %arg8[%dma_start3A_100, %dma_start3A_102, %dma_start3A_103] : memref<2x2x512xi32, #tpu.memory_space<vmem>> -> memref<1x2x512xi32, #tpu.memory_space<vmem>>
    %dma_start3A_105 = tpu.memref_squeeze %dma_start3A_104 : memref<1x2x512xi32, #tpu.memory_space<vmem>> -> memref<2x512xi32, #tpu.memory_space<vmem>>
    %dma_start3A_106 = arith.constant 0 : i32
    %dma_start3A_107 = tpu.memref_slice %arg2[%dma_start3A_106, %mul3A_99] : memref<2x1600000xi32, #tpu.memory_space<hbm>> -> memref<2x512xi32, #tpu.memory_space<hbm>>
    %dma_start3A_108 = tpu.memref_slice %arg12[%dma_start3A_101] : memref<2x!tpu.dma_semaphore, #tpu.memory_space<semaphore_mem>> -> memref<1x!tpu.dma_semaphore, #tpu.memory_space<semaphore_mem>>
    %dma_start3A_109 = tpu.memref_squeeze %dma_start3A_108 : memref<1x!tpu.dma_semaphore, #tpu.memory_space<semaphore_mem>> -> memref<!tpu.dma_semaphore, #tpu.memory_space<semaphore_mem>>
    %dma_start3A_110 = arith.constant 0 : i32
    %dma_start3A_111 = arith.constant 0 : i32
    %dma_start3A_112 = tpu.memref_slice %arg8[%dma_start3A_100, %dma_start3A_110, %dma_start3A_111] : memref<2x2x512xi32, #tpu.memory_space<vmem>> -> memref<1x2x512xi32, #tpu.memory_space<vmem>>
    %dma_start3A_113 = tpu.memref_squeeze %dma_start3A_112 : memref<1x2x512xi32, #tpu.memory_space<vmem>> -> memref<2x512xi32, #tpu.memory_space<vmem>>
    %dma_start3A_114 = arith.constant 0 : i32
    %dma_start3A_115 = tpu.memref_slice %arg2[%dma_start3A_114, %mul3A_99] : memref<2x1600000xi32, #tpu.memory_space<hbm>> -> memref<2x512xi32, #tpu.memory_space<hbm>>
    tpu.enqueue_dma source(%dma_start3A_115 : memref<2x512xi32, #tpu.memory_space<hbm>>) target(%dma_start3A_113 : memref<2x512xi32, #tpu.memory_space<vmem>>) target_semaphore(%dma_start3A_109 : memref<!tpu.dma_semaphore, #tpu.memory_space<semaphore_mem>>)
    %mul3A_116 = arith.constant 512 : i32
    %mul3A_117 = arith.muli %add3A_97, %mul3A_116 : i32
    %dma_start3A_118 = arith.constant 1 : i32
    %dma_start3A_119 = arith.constant 1 : i32
    %dma_start3A_120 = arith.constant 0 : i32
    %dma_start3A_121 = arith.constant 0 : i32
    %dma_start3A_122 = tpu.memref_slice %arg9[%dma_start3A_118, %dma_start3A_120, %dma_start3A_121] : memref<2x16x512xf32, #tpu.memory_space<vmem>> -> memref<1x16x512xf32, #tpu.memory_space<vmem>>
    %dma_start3A_123 = tpu.memref_squeeze %dma_start3A_122 : memref<1x16x512xf32, #tpu.memory_space<vmem>> -> memref<16x512xf32, #tpu.memory_space<vmem>>
    %dma_start3A_124 = arith.constant 0 : i32
    %dma_start3A_125 = tpu.memref_slice %arg3[%dma_start3A_124, %mul3A_117] : memref<16x1600000xf32, #tpu.memory_space<hbm>> -> memref<16x512xf32, #tpu.memory_space<hbm>>
    %dma_start3A_126 = tpu.memref_slice %arg13[%dma_start3A_119] : memref<2x!tpu.dma_semaphore, #tpu.memory_space<semaphore_mem>> -> memref<1x!tpu.dma_semaphore, #tpu.memory_space<semaphore_mem>>
    %dma_start3A_127 = tpu.memref_squeeze %dma_start3A_126 : memref<1x!tpu.dma_semaphore, #tpu.memory_space<semaphore_mem>> -> memref<!tpu.dma_semaphore, #tpu.memory_space<semaphore_mem>>
    %dma_start3A_128 = arith.constant 0 : i32
    %dma_start3A_129 = arith.constant 0 : i32
    %dma_start3A_130 = tpu.memref_slice %arg9[%dma_start3A_118, %dma_start3A_128, %dma_start3A_129] : memref<2x16x512xf32, #tpu.memory_space<vmem>> -> memref<1x16x512xf32, #tpu.memory_space<vmem>>
    %dma_start3A_131 = tpu.memref_squeeze %dma_start3A_130 : memref<1x16x512xf32, #tpu.memory_space<vmem>> -> memref<16x512xf32, #tpu.memory_space<vmem>>
    %dma_start3A_132 = arith.constant 0 : i32
    %dma_start3A_133 = tpu.memref_slice %arg3[%dma_start3A_132, %mul3A_117] : memref<16x1600000xf32, #tpu.memory_space<hbm>> -> memref<16x512xf32, #tpu.memory_space<hbm>>
    tpu.enqueue_dma source(%dma_start3A_133 : memref<16x512xf32, #tpu.memory_space<hbm>>) target(%dma_start3A_131 : memref<16x512xf32, #tpu.memory_space<vmem>>) target_semaphore(%dma_start3A_127 : memref<!tpu.dma_semaphore, #tpu.memory_space<semaphore_mem>>)
    %scan3A_134 = arith.constant 0 : i32
    %scan3A_135 = arith.constant 0 : i32
    %scan3A_136 = arith.constant 49 : i32
    %scan3A_137 = arith.addi %scan3A_135, %scan3A_136 : i32
    %scan3A_138 = arith.constant 1 : i32
    scf.for %scan3A_140 = %scan3A_135 to %scan3A_137 step %scan3A_138  : i32 {
      %mul3A_141 = arith.constant 2 : i32
      %mul3A_142 = arith.muli %mul3A_141, %scan3A_140 : i32
      %add3A_143 = arith.constant 0 : i32
      %add3A_144 = arith.addi %mul3A_142, %add3A_143 : i32
      %lt3A_145 = arith.cmpi slt, %add3A_144, %add3A_3 : i32
      %convert_element_type3A_146 = arith.extui %lt3A_145 : i1 to i32
      %cond3A = arith.constant 0 : i32
      %cond3A_147 = arith.cmpi ne, %convert_element_type3A_146, %cond3A : i32
      scf.if %cond3A_147 {
        %mul3A_156 = arith.constant 32 : i32
        %mul3A_157 = arith.muli %add3A_144, %mul3A_156 : i32
        %add3A_158 = arith.addi %mul3A_157, %add3A : i32
        %mul3A_159 = arith.constant 512 : i32
        %mul3A_160 = arith.muli %add3A_158, %mul3A_159 : i32
        %dma_wait3A = arith.constant 0 : i32
        %dma_wait3A_161 = arith.constant 0 : i32
        %dma_wait3A_162 = arith.constant 0 : i32
        %dma_wait3A_163 = arith.constant 0 : i32
        %dma_wait3A_164 = tpu.memref_slice %arg8[%dma_wait3A, %dma_wait3A_162, %dma_wait3A_163] : memref<2x2x512xi32, #tpu.memory_space<vmem>> -> memref<1x2x512xi32, #tpu.memory_space<vmem>>
        %dma_wait3A_165 = tpu.memref_squeeze %dma_wait3A_164 : memref<1x2x512xi32, #tpu.memory_space<vmem>> -> memref<2x512xi32, #tpu.memory_space<vmem>>
        %dma_wait3A_166 = arith.constant 0 : i32
        %dma_wait3A_167 = tpu.memref_slice %arg2[%dma_wait3A_166, %mul3A_160] : memref<2x1600000xi32, #tpu.memory_space<hbm>> -> memref<2x512xi32, #tpu.memory_space<hbm>>
        %dma_wait3A_168 = tpu.memref_slice %arg12[%dma_wait3A_161] : memref<2x!tpu.dma_semaphore, #tpu.memory_space<semaphore_mem>> -> memref<1x!tpu.dma_semaphore, #tpu.memory_space<semaphore_mem>>
        %dma_wait3A_169 = tpu.memref_squeeze %dma_wait3A_168 : memref<1x!tpu.dma_semaphore, #tpu.memory_space<semaphore_mem>> -> memref<!tpu.dma_semaphore, #tpu.memory_space<semaphore_mem>>
        %dma_wait3A_170 = arith.constant 0 : i32
        %dma_wait3A_171 = arith.constant 0 : i32
        %dma_wait3A_172 = tpu.memref_slice %arg8[%dma_wait3A, %dma_wait3A_170, %dma_wait3A_171] : memref<2x2x512xi32, #tpu.memory_space<vmem>> -> memref<1x2x512xi32, #tpu.memory_space<vmem>>
        %dma_wait3A_173 = tpu.memref_squeeze %dma_wait3A_172 : memref<1x2x512xi32, #tpu.memory_space<vmem>> -> memref<2x512xi32, #tpu.memory_space<vmem>>
        %dma_wait3A_174 = arith.constant 0 : i32
        %dma_wait3A_175 = tpu.memref_slice %arg2[%dma_wait3A_174, %mul3A_160] : memref<2x1600000xi32, #tpu.memory_space<hbm>> -> memref<2x512xi32, #tpu.memory_space<hbm>>
        tpu.wait_dma2 semaphore(%dma_wait3A_169 : memref<!tpu.dma_semaphore, #tpu.memory_space<semaphore_mem>>) src(%dma_wait3A_175 : memref<2x512xi32, #tpu.memory_space<hbm>>) dst(%dma_wait3A_173 : memref<2x512xi32, #tpu.memory_space<vmem>>)
        %mul3A_176 = arith.constant 512 : i32
        %mul3A_177 = arith.muli %add3A_158, %mul3A_176 : i32
        %dma_wait3A_178 = arith.constant 0 : i32
        %dma_wait3A_179 = arith.constant 0 : i32
        %dma_wait3A_180 = arith.constant 0 : i32
        %dma_wait3A_181 = arith.constant 0 : i32
        %dma_wait3A_182 = tpu.memref_slice %arg9[%dma_wait3A_178, %dma_wait3A_180, %dma_wait3A_181] : memref<2x16x512xf32, #tpu.memory_space<vmem>> -> memref<1x16x512xf32, #tpu.memory_space<vmem>>
        %dma_wait3A_183 = tpu.memref_squeeze %dma_wait3A_182 : memref<1x16x512xf32, #tpu.memory_space<vmem>> -> memref<16x512xf32, #tpu.memory_space<vmem>>
        %dma_wait3A_184 = arith.constant 0 : i32
        %dma_wait3A_185 = tpu.memref_slice %arg3[%dma_wait3A_184, %mul3A_177] : memref<16x1600000xf32, #tpu.memory_space<hbm>> -> memref<16x512xf32, #tpu.memory_space<hbm>>
        %dma_wait3A_186 = tpu.memref_slice %arg13[%dma_wait3A_179] : memref<2x!tpu.dma_semaphore, #tpu.memory_space<semaphore_mem>> -> memref<1x!tpu.dma_semaphore, #tpu.memory_space<semaphore_mem>>
        %dma_wait3A_187 = tpu.memref_squeeze %dma_wait3A_186 : memref<1x!tpu.dma_semaphore, #tpu.memory_space<semaphore_mem>> -> memref<!tpu.dma_semaphore, #tpu.memory_space<semaphore_mem>>
        %dma_wait3A_188 = arith.constant 0 : i32
        %dma_wait3A_189 = arith.constant 0 : i32
        %dma_wait3A_190 = tpu.memref_slice %arg9[%dma_wait3A_178, %dma_wait3A_188, %dma_wait3A_189] : memref<2x16x512xf32, #tpu.memory_space<vmem>> -> memref<1x16x512xf32, #tpu.memory_space<vmem>>
        %dma_wait3A_191 = tpu.memref_squeeze %dma_wait3A_190 : memref<1x16x512xf32, #tpu.memory_space<vmem>> -> memref<16x512xf32, #tpu.memory_space<vmem>>
        %dma_wait3A_192 = arith.constant 0 : i32
        %dma_wait3A_193 = tpu.memref_slice %arg3[%dma_wait3A_192, %mul3A_177] : memref<16x1600000xf32, #tpu.memory_space<hbm>> -> memref<16x512xf32, #tpu.memory_space<hbm>>
        tpu.wait_dma2 semaphore(%dma_wait3A_187 : memref<!tpu.dma_semaphore, #tpu.memory_space<semaphore_mem>>) src(%dma_wait3A_193 : memref<16x512xf32, #tpu.memory_space<hbm>>) dst(%dma_wait3A_191 : memref<16x512xf32, #tpu.memory_space<vmem>>)
        %parallel_loop3A = arith.constant 0 : i32
        %parallel_loop3A_194 = arith.constant 32 : i32
        %parallel_loop3A_195 = arith.constant 1 : i32
        scf.for %parallel_loop3A_202 = %parallel_loop3A to %parallel_loop3A_194 step %parallel_loop3A_195  : i32 {
          %parallel_loop3A_203 = arith.constant 16 : i32
          %parallel_loop3A_204 = arith.muli %parallel_loop3A_202, %parallel_loop3A_203 : i32
          %parallel_loop3A_205 = arith.constant 0 : i32
          %parallel_loop3A_206 = arith.constant 0 : i32
          %parallel_loop3A_207 = arith.index_cast %parallel_loop3A_205 : i32 to index
          %parallel_loop3A_208 = arith.index_cast %parallel_loop3A_206 : i32 to index
          %parallel_loop3A_209 = arith.index_cast %parallel_loop3A_204 : i32 to index
          %parallel_loop3A_210 = tpu.vector_load %arg8[%parallel_loop3A_207, %parallel_loop3A_208, %parallel_loop3A_209] {strides = array<i32>} : memref<2x2x512xi32, #tpu.memory_space<vmem>>, vector<16xi32>,
          %parallel_loop3A_211 = tpu.vector_load_idx %arg7[%parallel_loop3A_210] : memref<50000xi32, #tpu.memory_space<vmem>>[vector<16xi32>], vector<16xi32>,
          tpu.vector_store_idx %arg11[%parallel_loop3A_211], %broadcast_in_dim3A_26 {add = true} : memref<128xf32, #tpu.memory_space<vmem>>[vector<16xi32>], vector<16xf32>,
          %parallel_loop3A_212 = arith.constant 16 : i32
          %parallel_loop3A_213 = arith.muli %parallel_loop3A_202, %parallel_loop3A_212 : i32
          %parallel_loop3A_214 = arith.constant 0 : i32
          %parallel_loop3A_215 = arith.constant 0 : i32
          %parallel_loop3A_216 = arith.index_cast %parallel_loop3A_214 : i32 to index
          %parallel_loop3A_217 = arith.index_cast %parallel_loop3A_215 : i32 to index
          %parallel_loop3A_218 = arith.index_cast %parallel_loop3A_213 : i32 to index
          %parallel_loop3A_219 = tpu.vector_load %arg9[%parallel_loop3A_216, %parallel_loop3A_217, %parallel_loop3A_218] {strides = array<i32>} : memref<2x16x512xf32, #tpu.memory_space<vmem>>, vector<16xf32>,
          tpu.vector_store_idx %arg10[%broadcast_in_dim3A_28, %parallel_loop3A_211], %parallel_loop3A_219 {add = true} : memref<16x128xf32, #tpu.memory_space<vmem>>[vector<16xi32>, vector<16xi32>], vector<16xf32>,
          %parallel_loop3A_220 = arith.constant 16 : i32
          %parallel_loop3A_221 = arith.muli %parallel_loop3A_202, %parallel_loop3A_220 : i32
          %parallel_loop3A_222 = arith.constant 0 : i32
          %parallel_loop3A_223 = arith.constant 1 : i32
          %parallel_loop3A_224 = arith.index_cast %parallel_loop3A_222 : i32 to index
          %parallel_loop3A_225 = arith.index_cast %parallel_loop3A_223 : i32 to index
          %parallel_loop3A_226 = arith.index_cast %parallel_loop3A_221 : i32 to index
          %parallel_loop3A_227 = tpu.vector_load %arg9[%parallel_loop3A_224, %parallel_loop3A_225, %parallel_loop3A_226] {strides = array<i32>} : memref<2x16x512xf32, #tpu.memory_space<vmem>>, vector<16xf32>,
          tpu.vector_store_idx %arg10[%broadcast_in_dim3A_30, %parallel_loop3A_211], %parallel_loop3A_227 {add = true} : memref<16x128xf32, #tpu.memory_space<vmem>>[vector<16xi32>, vector<16xi32>], vector<16xf32>,
          %parallel_loop3A_228 = arith.constant 16 : i32
          %parallel_loop3A_229 = arith.muli %parallel_loop3A_202, %parallel_loop3A_228 : i32
          %parallel_loop3A_230 = arith.constant 0 : i32
          %parallel_loop3A_231 = arith.constant 2 : i32
          %parallel_loop3A_232 = arith.index_cast %parallel_loop3A_230 : i32 to index
          %parallel_loop3A_233 = arith.index_cast %parallel_loop3A_231 : i32 to index
          %parallel_loop3A_234 = arith.index_cast %parallel_loop3A_229 : i32 to index
          %parallel_loop3A_235 = tpu.vector_load %arg9[%parallel_loop3A_232, %parallel_loop3A_233, %parallel_loop3A_234] {strides = array<i32>} : memref<2x16x512xf32, #tpu.memory_space<vmem>>, vector<16xf32>,
          tpu.vector_store_idx %arg10[%broadcast_in_dim3A_32, %parallel_loop3A_211], %parallel_loop3A_235 {add = true} : memref<16x128xf32, #tpu.memory_space<vmem>>[vector<16xi32>, vector<16xi32>], vector<16xf32>,
          %parallel_loop3A_236 = arith.constant 16 : i32
          %parallel_loop3A_237 = arith.muli %parallel_loop3A_202, %parallel_loop3A_236 : i32
          %parallel_loop3A_238 = arith.constant 0 : i32
          %parallel_loop3A_239 = arith.constant 3 : i32
          %parallel_loop3A_240 = arith.index_cast %parallel_loop3A_238 : i32 to index
          %parallel_loop3A_241 = arith.index_cast %parallel_loop3A_239 : i32 to index
          %parallel_loop3A_242 = arith.index_cast %parallel_loop3A_237 : i32 to index
          %parallel_loop3A_243 = tpu.vector_load %arg9[%parallel_loop3A_240, %parallel_loop3A_241, %parallel_loop3A_242] {strides = array<i32>} : memref<2x16x512xf32, #tpu.memory_space<vmem>>, vector<16xf32>,
          tpu.vector_store_idx %arg10[%broadcast_in_dim3A_34, %parallel_loop3A_211], %parallel_loop3A_243 {add = true} : memref<16x128xf32, #tpu.memory_space<vmem>>[vector<16xi32>, vector<16xi32>], vector<16xf32>,
          %parallel_loop3A_244 = arith.constant 16 : i32
          %parallel_loop3A_245 = arith.muli %parallel_loop3A_202, %parallel_loop3A_244 : i32
          %parallel_loop3A_246 = arith.constant 0 : i32
          %parallel_loop3A_247 = arith.constant 4 : i32
          %parallel_loop3A_248 = arith.index_cast %parallel_loop3A_246 : i32 to index
          %parallel_loop3A_249 = arith.index_cast %parallel_loop3A_247 : i32 to index
          %parallel_loop3A_250 = arith.index_cast %parallel_loop3A_245 : i32 to index
          %parallel_loop3A_251 = tpu.vector_load %arg9[%parallel_loop3A_248, %parallel_loop3A_249, %parallel_loop3A_250] {strides = array<i32>} : memref<2x16x512xf32, #tpu.memory_space<vmem>>, vector<16xf32>,
          tpu.vector_store_idx %arg10[%broadcast_in_dim3A_36, %parallel_loop3A_211], %parallel_loop3A_251 {add = true} : memref<16x128xf32, #tpu.memory_space<vmem>>[vector<16xi32>, vector<16xi32>], vector<16xf32>,
          %parallel_loop3A_252 = arith.constant 16 : i32
          %parallel_loop3A_253 = arith.muli %parallel_loop3A_202, %parallel_loop3A_252 : i32
          %parallel_loop3A_254 = arith.constant 0 : i32
          %parallel_loop3A_255 = arith.constant 5 : i32
          %parallel_loop3A_256 = arith.index_cast %parallel_loop3A_254 : i32 to index
          %parallel_loop3A_257 = arith.index_cast %parallel_loop3A_255 : i32 to index
          %parallel_loop3A_258 = arith.index_cast %parallel_loop3A_253 : i32 to index
          %parallel_loop3A_259 = tpu.vector_load %arg9[%parallel_loop3A_256, %parallel_loop3A_257, %parallel_loop3A_258] {strides = array<i32>} : memref<2x16x512xf32, #tpu.memory_space<vmem>>, vector<16xf32>,
          tpu.vector_store_idx %arg10[%broadcast_in_dim3A_38, %parallel_loop3A_211], %parallel_loop3A_259 {add = true} : memref<16x128xf32, #tpu.memory_space<vmem>>[vector<16xi32>, vector<16xi32>], vector<16xf32>,
          %parallel_loop3A_260 = arith.constant 16 : i32
          %parallel_loop3A_261 = arith.muli %parallel_loop3A_202, %parallel_loop3A_260 : i32
          %parallel_loop3A_262 = arith.constant 0 : i32
          %parallel_loop3A_263 = arith.constant 6 : i32
          %parallel_loop3A_264 = arith.index_cast %parallel_loop3A_262 : i32 to index
          %parallel_loop3A_265 = arith.index_cast %parallel_loop3A_263 : i32 to index
          %parallel_loop3A_266 = arith.index_cast %parallel_loop3A_261 : i32 to index
          %parallel_loop3A_267 = tpu.vector_load %arg9[%parallel_loop3A_264, %parallel_loop3A_265, %parallel_loop3A_266] {strides = array<i32>} : memref<2x16x512xf32, #tpu.memory_space<vmem>>, vector<16xf32>,
          tpu.vector_store_idx %arg10[%broadcast_in_dim3A_40, %parallel_loop3A_211], %parallel_loop3A_267 {add = true} : memref<16x128xf32, #tpu.memory_space<vmem>>[vector<16xi32>, vector<16xi32>], vector<16xf32>,
          %parallel_loop3A_268 = arith.constant 16 : i32
          %parallel_loop3A_269 = arith.muli %parallel_loop3A_202, %parallel_loop3A_268 : i32
          %parallel_loop3A_270 = arith.constant 0 : i32
          %parallel_loop3A_271 = arith.constant 7 : i32
          %parallel_loop3A_272 = arith.index_cast %parallel_loop3A_270 : i32 to index
          %parallel_loop3A_273 = arith.index_cast %parallel_loop3A_271 : i32 to index
          %parallel_loop3A_274 = arith.index_cast %parallel_loop3A_269 : i32 to index
          %parallel_loop3A_275 = tpu.vector_load %arg9[%parallel_loop3A_272, %parallel_loop3A_273, %parallel_loop3A_274] {strides = array<i32>} : memref<2x16x512xf32, #tpu.memory_space<vmem>>, vector<16xf32>,
          tpu.vector_store_idx %arg10[%broadcast_in_dim3A_42, %parallel_loop3A_211], %parallel_loop3A_275 {add = true} : memref<16x128xf32, #tpu.memory_space<vmem>>[vector<16xi32>, vector<16xi32>], vector<16xf32>,
          %parallel_loop3A_276 = arith.constant 16 : i32
          %parallel_loop3A_277 = arith.muli %parallel_loop3A_202, %parallel_loop3A_276 : i32
          %parallel_loop3A_278 = arith.constant 0 : i32
          %parallel_loop3A_279 = arith.constant 8 : i32
          %parallel_loop3A_280 = arith.index_cast %parallel_loop3A_278 : i32 to index
          %parallel_loop3A_281 = arith.index_cast %parallel_loop3A_279 : i32 to index
          %parallel_loop3A_282 = arith.index_cast %parallel_loop3A_277 : i32 to index
          %parallel_loop3A_283 = tpu.vector_load %arg9[%parallel_loop3A_280, %parallel_loop3A_281, %parallel_loop3A_282] {strides = array<i32>} : memref<2x16x512xf32, #tpu.memory_space<vmem>>, vector<16xf32>,
          tpu.vector_store_idx %arg10[%broadcast_in_dim3A_44, %parallel_loop3A_211], %parallel_loop3A_283 {add = true} : memref<16x128xf32, #tpu.memory_space<vmem>>[vector<16xi32>, vector<16xi32>], vector<16xf32>,
          %parallel_loop3A_284 = arith.constant 16 : i32
          %parallel_loop3A_285 = arith.muli %parallel_loop3A_202, %parallel_loop3A_284 : i32
          %parallel_loop3A_286 = arith.constant 0 : i32
          %parallel_loop3A_287 = arith.constant 9 : i32
          %parallel_loop3A_288 = arith.index_cast %parallel_loop3A_286 : i32 to index
          %parallel_loop3A_289 = arith.index_cast %parallel_loop3A_287 : i32 to index
          %parallel_loop3A_290 = arith.index_cast %parallel_loop3A_285 : i32 to index
          %parallel_loop3A_291 = tpu.vector_load %arg9[%parallel_loop3A_288, %parallel_loop3A_289, %parallel_loop3A_290] {strides = array<i32>} : memref<2x16x512xf32, #tpu.memory_space<vmem>>, vector<16xf32>,
          tpu.vector_store_idx %arg10[%broadcast_in_dim3A_46, %parallel_loop3A_211], %parallel_loop3A_291 {add = true} : memref<16x128xf32, #tpu.memory_space<vmem>>[vector<16xi32>, vector<16xi32>], vector<16xf32>,
          %parallel_loop3A_292 = arith.constant 16 : i32
          %parallel_loop3A_293 = arith.muli %parallel_loop3A_202, %parallel_loop3A_292 : i32
          %parallel_loop3A_294 = arith.constant 0 : i32
          %parallel_loop3A_295 = arith.constant 10 : i32
          %parallel_loop3A_296 = arith.index_cast %parallel_loop3A_294 : i32 to index
          %parallel_loop3A_297 = arith.index_cast %parallel_loop3A_295 : i32 to index
          %parallel_loop3A_298 = arith.index_cast %parallel_loop3A_293 : i32 to index
          %parallel_loop3A_299 = tpu.vector_load %arg9[%parallel_loop3A_296, %parallel_loop3A_297, %parallel_loop3A_298] {strides = array<i32>} : memref<2x16x512xf32, #tpu.memory_space<vmem>>, vector<16xf32>,
          tpu.vector_store_idx %arg10[%broadcast_in_dim3A_48, %parallel_loop3A_211], %parallel_loop3A_299 {add = true} : memref<16x128xf32, #tpu.memory_space<vmem>>[vector<16xi32>, vector<16xi32>], vector<16xf32>,
          %parallel_loop3A_300 = arith.constant 16 : i32
          %parallel_loop3A_301 = arith.muli %parallel_loop3A_202, %parallel_loop3A_300 : i32
          %parallel_loop3A_302 = arith.constant 0 : i32
          %parallel_loop3A_303 = arith.constant 11 : i32
          %parallel_loop3A_304 = arith.index_cast %parallel_loop3A_302 : i32 to index
          %parallel_loop3A_305 = arith.index_cast %parallel_loop3A_303 : i32 to index
          %parallel_loop3A_306 = arith.index_cast %parallel_loop3A_301 : i32 to index
          %parallel_loop3A_307 = tpu.vector_load %arg9[%parallel_loop3A_304, %parallel_loop3A_305, %parallel_loop3A_306] {strides = array<i32>} : memref<2x16x512xf32, #tpu.memory_space<vmem>>, vector<16xf32>,
          tpu.vector_store_idx %arg10[%broadcast_in_dim3A_50, %parallel_loop3A_211], %parallel_loop3A_307 {add = true} : memref<16x128xf32, #tpu.memory_space<vmem>>[vector<16xi32>, vector<16xi32>], vector<16xf32>,
          %parallel_loop3A_308 = arith.constant 16 : i32
          %parallel_loop3A_309 = arith.muli %parallel_loop3A_202, %parallel_loop3A_308 : i32
          %parallel_loop3A_310 = arith.constant 0 : i32
          %parallel_loop3A_311 = arith.constant 12 : i32
          %parallel_loop3A_312 = arith.index_cast %parallel_loop3A_310 : i32 to index
          %parallel_loop3A_313 = arith.index_cast %parallel_loop3A_311 : i32 to index
          %parallel_loop3A_314 = arith.index_cast %parallel_loop3A_309 : i32 to index
          %parallel_loop3A_315 = tpu.vector_load %arg9[%parallel_loop3A_312, %parallel_loop3A_313, %parallel_loop3A_314] {strides = array<i32>} : memref<2x16x512xf32, #tpu.memory_space<vmem>>, vector<16xf32>,
          tpu.vector_store_idx %arg10[%broadcast_in_dim3A_52, %parallel_loop3A_211], %parallel_loop3A_315 {add = true} : memref<16x128xf32, #tpu.memory_space<vmem>>[vector<16xi32>, vector<16xi32>], vector<16xf32>,
          %parallel_loop3A_316 = arith.constant 16 : i32
          %parallel_loop3A_317 = arith.muli %parallel_loop3A_202, %parallel_loop3A_316 : i32
          %parallel_loop3A_318 = arith.constant 0 : i32
          %parallel_loop3A_319 = arith.constant 13 : i32
          %parallel_loop3A_320 = arith.index_cast %parallel_loop3A_318 : i32 to index
          %parallel_loop3A_321 = arith.index_cast %parallel_loop3A_319 : i32 to index
          %parallel_loop3A_322 = arith.index_cast %parallel_loop3A_317 : i32 to index
          %parallel_loop3A_323 = tpu.vector_load %arg9[%parallel_loop3A_320, %parallel_loop3A_321, %parallel_loop3A_322] {strides = array<i32>} : memref<2x16x512xf32, #tpu.memory_space<vmem>>, vector<16xf32>,
          tpu.vector_store_idx %arg10[%broadcast_in_dim3A_54, %parallel_loop3A_211], %parallel_loop3A_323 {add = true} : memref<16x128xf32, #tpu.memory_space<vmem>>[vector<16xi32>, vector<16xi32>], vector<16xf32>,
          %parallel_loop3A_324 = arith.constant 16 : i32
          %parallel_loop3A_325 = arith.muli %parallel_loop3A_202, %parallel_loop3A_324 : i32
          %parallel_loop3A_326 = arith.constant 0 : i32
          %parallel_loop3A_327 = arith.constant 14 : i32
          %parallel_loop3A_328 = arith.index_cast %parallel_loop3A_326 : i32 to index
          %parallel_loop3A_329 = arith.index_cast %parallel_loop3A_327 : i32 to index
          %parallel_loop3A_330 = arith.index_cast %parallel_loop3A_325 : i32 to index
          %parallel_loop3A_331 = tpu.vector_load %arg9[%parallel_loop3A_328, %parallel_loop3A_329, %parallel_loop3A_330] {strides = array<i32>} : memref<2x16x512xf32, #tpu.memory_space<vmem>>, vector<16xf32>,
          tpu.vector_store_idx %arg10[%broadcast_in_dim3A_56, %parallel_loop3A_211], %parallel_loop3A_331 {add = true} : memref<16x128xf32, #tpu.memory_space<vmem>>[vector<16xi32>, vector<16xi32>], vector<16xf32>,
          %parallel_loop3A_332 = arith.constant 16 : i32
          %parallel_loop3A_333 = arith.muli %parallel_loop3A_202, %parallel_loop3A_332 : i32
          %parallel_loop3A_334 = arith.constant 0 : i32
          %parallel_loop3A_335 = arith.constant 15 : i32
          %parallel_loop3A_336 = arith.index_cast %parallel_loop3A_334 : i32 to index
          %parallel_loop3A_337 = arith.index_cast %parallel_loop3A_335 : i32 to index
          %parallel_loop3A_338 = arith.index_cast %parallel_loop3A_333 : i32 to index
          %parallel_loop3A_339 = tpu.vector_load %arg9[%parallel_loop3A_336, %parallel_loop3A_337, %parallel_loop3A_338] {strides = array<i32>} : memref<2x16x512xf32, #tpu.memory_space<vmem>>, vector<16xf32>,
          tpu.vector_store_idx %arg10[%broadcast_in_dim3A_58, %parallel_loop3A_211], %parallel_loop3A_339 {add = true} : memref<16x128xf32, #tpu.memory_space<vmem>>[vector<16xi32>, vector<16xi32>], vector<16xf32>,
        } {sc.loop_unroll_factor = 2 : i64, sc.parallel_access}
        %add3A_196 = arith.constant 2 : i32
        %add3A_197 = arith.addi %add3A_144, %add3A_196 : i32
        %lt3A_198 = arith.cmpi slt, %add3A_197, %add3A_3 : i32
        %convert_element_type3A_199 = arith.extui %lt3A_198 : i1 to i32
        %cond3A_200 = arith.constant 0 : i32
        %cond3A_201 = arith.cmpi ne, %convert_element_type3A_199, %cond3A_200 : i32
        scf.if %cond3A_201 {
          %add3A_202 = arith.constant 2 : i32
          %add3A_203 = arith.addi %add3A_144, %add3A_202 : i32
          %mul3A_204 = arith.constant 32 : i32
          %mul3A_205 = arith.muli %add3A_203, %mul3A_204 : i32
          %add3A_206 = arith.addi %mul3A_205, %add3A : i32
          %mul3A_207 = arith.constant 512 : i32
          %mul3A_208 = arith.muli %add3A_206, %mul3A_207 : i32
          %dma_start3A_209 = arith.constant 0 : i32
          %dma_start3A_210 = arith.constant 0 : i32
          %dma_start3A_211 = arith.constant 0 : i32
          %dma_start3A_212 = arith.constant 0 : i32
          %dma_start3A_213 = tpu.memref_slice %arg8[%dma_start3A_209, %dma_start3A_211, %dma_start3A_212] : memref<2x2x512xi32, #tpu.memory_space<vmem>> -> memref<1x2x512xi32, #tpu.memory_space<vmem>>
          %dma_start3A_214 = tpu.memref_squeeze %dma_start3A_213 : memref<1x2x512xi32, #tpu.memory_space<vmem>> -> memref<2x512xi32, #tpu.memory_space<vmem>>
          %dma_start3A_215 = arith.constant 0 : i32
          %dma_start3A_216 = tpu.memref_slice %arg2[%dma_start3A_215, %mul3A_208] : memref<2x1600000xi32, #tpu.memory_space<hbm>> -> memref<2x512xi32, #tpu.memory_space<hbm>>
          %dma_start3A_217 = tpu.memref_slice %arg12[%dma_start3A_210] : memref<2x!tpu.dma_semaphore, #tpu.memory_space<semaphore_mem>> -> memref<1x!tpu.dma_semaphore, #tpu.memory_space<semaphore_mem>>
          %dma_start3A_218 = tpu.memref_squeeze %dma_start3A_217 : memref<1x!tpu.dma_semaphore, #tpu.memory_space<semaphore_mem>> -> memref<!tpu.dma_semaphore, #tpu.memory_space<semaphore_mem>>
          %dma_start3A_219 = arith.constant 0 : i32
          %dma_start3A_220 = arith.constant 0 : i32
          %dma_start3A_221 = tpu.memref_slice %arg8[%dma_start3A_209, %dma_start3A_219, %dma_start3A_220] : memref<2x2x512xi32, #tpu.memory_space<vmem>> -> memref<1x2x512xi32, #tpu.memory_space<vmem>>
          %dma_start3A_222 = tpu.memref_squeeze %dma_start3A_221 : memref<1x2x512xi32, #tpu.memory_space<vmem>> -> memref<2x512xi32, #tpu.memory_space<vmem>>
          %dma_start3A_223 = arith.constant 0 : i32
          %dma_start3A_224 = tpu.memref_slice %arg2[%dma_start3A_223, %mul3A_208] : memref<2x1600000xi32, #tpu.memory_space<hbm>> -> memref<2x512xi32, #tpu.memory_space<hbm>>
          tpu.enqueue_dma source(%dma_start3A_224 : memref<2x512xi32, #tpu.memory_space<hbm>>) target(%dma_start3A_222 : memref<2x512xi32, #tpu.memory_space<vmem>>) target_semaphore(%dma_start3A_218 : memref<!tpu.dma_semaphore, #tpu.memory_space<semaphore_mem>>)
          %mul3A_225 = arith.constant 512 : i32
          %mul3A_226 = arith.muli %add3A_206, %mul3A_225 : i32
          %dma_start3A_227 = arith.constant 0 : i32
          %dma_start3A_228 = arith.constant 0 : i32
          %dma_start3A_229 = arith.constant 0 : i32
          %dma_start3A_230 = arith.constant 0 : i32
          %dma_start3A_231 = tpu.memref_slice %arg9[%dma_start3A_227, %dma_start3A_229, %dma_start3A_230] : memref<2x16x512xf32, #tpu.memory_space<vmem>> -> memref<1x16x512xf32, #tpu.memory_space<vmem>>
          %dma_start3A_232 = tpu.memref_squeeze %dma_start3A_231 : memref<1x16x512xf32, #tpu.memory_space<vmem>> -> memref<16x512xf32, #tpu.memory_space<vmem>>
          %dma_start3A_233 = arith.constant 0 : i32
          %dma_start3A_234 = tpu.memref_slice %arg3[%dma_start3A_233, %mul3A_226] : memref<16x1600000xf32, #tpu.memory_space<hbm>> -> memref<16x512xf32, #tpu.memory_space<hbm>>
          %dma_start3A_235 = tpu.memref_slice %arg13[%dma_start3A_228] : memref<2x!tpu.dma_semaphore, #tpu.memory_space<semaphore_mem>> -> memref<1x!tpu.dma_semaphore, #tpu.memory_space<semaphore_mem>>
          %dma_start3A_236 = tpu.memref_squeeze %dma_start3A_235 : memref<1x!tpu.dma_semaphore, #tpu.memory_space<semaphore_mem>> -> memref<!tpu.dma_semaphore, #tpu.memory_space<semaphore_mem>>
          %dma_start3A_237 = arith.constant 0 : i32
          %dma_start3A_238 = arith.constant 0 : i32
          %dma_start3A_239 = tpu.memref_slice %arg9[%dma_start3A_227, %dma_start3A_237, %dma_start3A_238] : memref<2x16x512xf32, #tpu.memory_space<vmem>> -> memref<1x16x512xf32, #tpu.memory_space<vmem>>
          %dma_start3A_240 = tpu.memref_squeeze %dma_start3A_239 : memref<1x16x512xf32, #tpu.memory_space<vmem>> -> memref<16x512xf32, #tpu.memory_space<vmem>>
          %dma_start3A_241 = arith.constant 0 : i32
          %dma_start3A_242 = tpu.memref_slice %arg3[%dma_start3A_241, %mul3A_226] : memref<16x1600000xf32, #tpu.memory_space<hbm>> -> memref<16x512xf32, #tpu.memory_space<hbm>>
          tpu.enqueue_dma source(%dma_start3A_242 : memref<16x512xf32, #tpu.memory_space<hbm>>) target(%dma_start3A_240 : memref<16x512xf32, #tpu.memory_space<vmem>>) target_semaphore(%dma_start3A_236 : memref<!tpu.dma_semaphore, #tpu.memory_space<semaphore_mem>>)
        } else {
        }
      } else {
      }
      %mul3A_148 = arith.constant 2 : i32
      %mul3A_149 = arith.muli %mul3A_148, %scan3A_140 : i32
      %add3A_150 = arith.constant 1 : i32
      %add3A_151 = arith.addi %mul3A_149, %add3A_150 : i32
      %lt3A_152 = arith.cmpi slt, %add3A_151, %add3A_3 : i32
      %convert_element_type3A_153 = arith.extui %lt3A_152 : i1 to i32
      %cond3A_154 = arith.constant 0 : i32
      %cond3A_155 = arith.cmpi ne, %convert_element_type3A_153, %cond3A_154 : i32
      scf.if %cond3A_155 {
        %mul3A_156 = arith.constant 32 : i32
        %mul3A_157 = arith.muli %add3A_151, %mul3A_156 : i32
        %add3A_158 = arith.addi %mul3A_157, %add3A : i32
        %mul3A_159 = arith.constant 512 : i32
        %mul3A_160 = arith.muli %add3A_158, %mul3A_159 : i32
        %dma_wait3A = arith.constant 1 : i32
        %dma_wait3A_161 = arith.constant 1 : i32
        %dma_wait3A_162 = arith.constant 0 : i32
        %dma_wait3A_163 = arith.constant 0 : i32
        %dma_wait3A_164 = tpu.memref_slice %arg8[%dma_wait3A, %dma_wait3A_162, %dma_wait3A_163] : memref<2x2x512xi32, #tpu.memory_space<vmem>> -> memref<1x2x512xi32, #tpu.memory_space<vmem>>
        %dma_wait3A_165 = tpu.memref_squeeze %dma_wait3A_164 : memref<1x2x512xi32, #tpu.memory_space<vmem>> -> memref<2x512xi32, #tpu.memory_space<vmem>>
        %dma_wait3A_166 = arith.constant 0 : i32
        %dma_wait3A_167 = tpu.memref_slice %arg2[%dma_wait3A_166, %mul3A_160] : memref<2x1600000xi32, #tpu.memory_space<hbm>> -> memref<2x512xi32, #tpu.memory_space<hbm>>
        %dma_wait3A_168 = tpu.memref_slice %arg12[%dma_wait3A_161] : memref<2x!tpu.dma_semaphore, #tpu.memory_space<semaphore_mem>> -> memref<1x!tpu.dma_semaphore, #tpu.memory_space<semaphore_mem>>
        %dma_wait3A_169 = tpu.memref_squeeze %dma_wait3A_168 : memref<1x!tpu.dma_semaphore, #tpu.memory_space<semaphore_mem>> -> memref<!tpu.dma_semaphore, #tpu.memory_space<semaphore_mem>>
        %dma_wait3A_170 = arith.constant 0 : i32
        %dma_wait3A_171 = arith.constant 0 : i32
        %dma_wait3A_172 = tpu.memref_slice %arg8[%dma_wait3A, %dma_wait3A_170, %dma_wait3A_171] : memref<2x2x512xi32, #tpu.memory_space<vmem>> -> memref<1x2x512xi32, #tpu.memory_space<vmem>>
        %dma_wait3A_173 = tpu.memref_squeeze %dma_wait3A_172 : memref<1x2x512xi32, #tpu.memory_space<vmem>> -> memref<2x512xi32, #tpu.memory_space<vmem>>
        %dma_wait3A_174 = arith.constant 0 : i32
        %dma_wait3A_175 = tpu.memref_slice %arg2[%dma_wait3A_174, %mul3A_160] : memref<2x1600000xi32, #tpu.memory_space<hbm>> -> memref<2x512xi32, #tpu.memory_space<hbm>>
        tpu.wait_dma2 semaphore(%dma_wait3A_169 : memref<!tpu.dma_semaphore, #tpu.memory_space<semaphore_mem>>) src(%dma_wait3A_175 : memref<2x512xi32, #tpu.memory_space<hbm>>) dst(%dma_wait3A_173 : memref<2x512xi32, #tpu.memory_space<vmem>>)
        %mul3A_176 = arith.constant 512 : i32
        %mul3A_177 = arith.muli %add3A_158, %mul3A_176 : i32
        %dma_wait3A_178 = arith.constant 1 : i32
        %dma_wait3A_179 = arith.constant 1 : i32
        %dma_wait3A_180 = arith.constant 0 : i32
        %dma_wait3A_181 = arith.constant 0 : i32
        %dma_wait3A_182 = tpu.memref_slice %arg9[%dma_wait3A_178, %dma_wait3A_180, %dma_wait3A_181] : memref<2x16x512xf32, #tpu.memory_space<vmem>> -> memref<1x16x512xf32, #tpu.memory_space<vmem>>
        %dma_wait3A_183 = tpu.memref_squeeze %dma_wait3A_182 : memref<1x16x512xf32, #tpu.memory_space<vmem>> -> memref<16x512xf32, #tpu.memory_space<vmem>>
        %dma_wait3A_184 = arith.constant 0 : i32
        %dma_wait3A_185 = tpu.memref_slice %arg3[%dma_wait3A_184, %mul3A_177] : memref<16x1600000xf32, #tpu.memory_space<hbm>> -> memref<16x512xf32, #tpu.memory_space<hbm>>
        %dma_wait3A_186 = tpu.memref_slice %arg13[%dma_wait3A_179] : memref<2x!tpu.dma_semaphore, #tpu.memory_space<semaphore_mem>> -> memref<1x!tpu.dma_semaphore, #tpu.memory_space<semaphore_mem>>
        %dma_wait3A_187 = tpu.memref_squeeze %dma_wait3A_186 : memref<1x!tpu.dma_semaphore, #tpu.memory_space<semaphore_mem>> -> memref<!tpu.dma_semaphore, #tpu.memory_space<semaphore_mem>>
        %dma_wait3A_188 = arith.constant 0 : i32
        %dma_wait3A_189 = arith.constant 0 : i32
        %dma_wait3A_190 = tpu.memref_slice %arg9[%dma_wait3A_178, %dma_wait3A_188, %dma_wait3A_189] : memref<2x16x512xf32, #tpu.memory_space<vmem>> -> memref<1x16x512xf32, #tpu.memory_space<vmem>>
        %dma_wait3A_191 = tpu.memref_squeeze %dma_wait3A_190 : memref<1x16x512xf32, #tpu.memory_space<vmem>> -> memref<16x512xf32, #tpu.memory_space<vmem>>
        %dma_wait3A_192 = arith.constant 0 : i32
        %dma_wait3A_193 = tpu.memref_slice %arg3[%dma_wait3A_192, %mul3A_177] : memref<16x1600000xf32, #tpu.memory_space<hbm>> -> memref<16x512xf32, #tpu.memory_space<hbm>>
        tpu.wait_dma2 semaphore(%dma_wait3A_187 : memref<!tpu.dma_semaphore, #tpu.memory_space<semaphore_mem>>) src(%dma_wait3A_193 : memref<16x512xf32, #tpu.memory_space<hbm>>) dst(%dma_wait3A_191 : memref<16x512xf32, #tpu.memory_space<vmem>>)
        %parallel_loop3A = arith.constant 0 : i32
        %parallel_loop3A_194 = arith.constant 32 : i32
        %parallel_loop3A_195 = arith.constant 1 : i32
        scf.for %parallel_loop3A_202 = %parallel_loop3A to %parallel_loop3A_194 step %parallel_loop3A_195  : i32 {
          %parallel_loop3A_203 = arith.constant 16 : i32
          %parallel_loop3A_204 = arith.muli %parallel_loop3A_202, %parallel_loop3A_203 : i32
          %parallel_loop3A_205 = arith.constant 1 : i32
          %parallel_loop3A_206 = arith.constant 0 : i32
          %parallel_loop3A_207 = arith.index_cast %parallel_loop3A_205 : i32 to index
          %parallel_loop3A_208 = arith.index_cast %parallel_loop3A_206 : i32 to index
          %parallel_loop3A_209 = arith.index_cast %parallel_loop3A_204 : i32 to index
          %parallel_loop3A_210 = tpu.vector_load %arg8[%parallel_loop3A_207, %parallel_loop3A_208, %parallel_loop3A_209] {strides = array<i32>} : memref<2x2x512xi32, #tpu.memory_space<vmem>>, vector<16xi32>,
          %parallel_loop3A_211 = tpu.vector_load_idx %arg7[%parallel_loop3A_210] : memref<50000xi32, #tpu.memory_space<vmem>>[vector<16xi32>], vector<16xi32>,
          tpu.vector_store_idx %arg11[%parallel_loop3A_211], %broadcast_in_dim3A_26 {add = true} : memref<128xf32, #tpu.memory_space<vmem>>[vector<16xi32>], vector<16xf32>,
          %parallel_loop3A_212 = arith.constant 16 : i32
          %parallel_loop3A_213 = arith.muli %parallel_loop3A_202, %parallel_loop3A_212 : i32
          %parallel_loop3A_214 = arith.constant 1 : i32
          %parallel_loop3A_215 = arith.constant 0 : i32
          %parallel_loop3A_216 = arith.index_cast %parallel_loop3A_214 : i32 to index
          %parallel_loop3A_217 = arith.index_cast %parallel_loop3A_215 : i32 to index
          %parallel_loop3A_218 = arith.index_cast %parallel_loop3A_213 : i32 to index
          %parallel_loop3A_219 = tpu.vector_load %arg9[%parallel_loop3A_216, %parallel_loop3A_217, %parallel_loop3A_218] {strides = array<i32>} : memref<2x16x512xf32, #tpu.memory_space<vmem>>, vector<16xf32>,
          tpu.vector_store_idx %arg10[%broadcast_in_dim3A_28, %parallel_loop3A_211], %parallel_loop3A_219 {add = true} : memref<16x128xf32, #tpu.memory_space<vmem>>[vector<16xi32>, vector<16xi32>], vector<16xf32>,
          %parallel_loop3A_220 = arith.constant 16 : i32
          %parallel_loop3A_221 = arith.muli %parallel_loop3A_202, %parallel_loop3A_220 : i32
          %parallel_loop3A_222 = arith.constant 1 : i32
          %parallel_loop3A_223 = arith.constant 1 : i32
          %parallel_loop3A_224 = arith.index_cast %parallel_loop3A_222 : i32 to index
          %parallel_loop3A_225 = arith.index_cast %parallel_loop3A_223 : i32 to index
          %parallel_loop3A_226 = arith.index_cast %parallel_loop3A_221 : i32 to index
          %parallel_loop3A_227 = tpu.vector_load %arg9[%parallel_loop3A_224, %parallel_loop3A_225, %parallel_loop3A_226] {strides = array<i32>} : memref<2x16x512xf32, #tpu.memory_space<vmem>>, vector<16xf32>,
          tpu.vector_store_idx %arg10[%broadcast_in_dim3A_30, %parallel_loop3A_211], %parallel_loop3A_227 {add = true} : memref<16x128xf32, #tpu.memory_space<vmem>>[vector<16xi32>, vector<16xi32>], vector<16xf32>,
          %parallel_loop3A_228 = arith.constant 16 : i32
          %parallel_loop3A_229 = arith.muli %parallel_loop3A_202, %parallel_loop3A_228 : i32
          %parallel_loop3A_230 = arith.constant 1 : i32
          %parallel_loop3A_231 = arith.constant 2 : i32
          %parallel_loop3A_232 = arith.index_cast %parallel_loop3A_230 : i32 to index
          %parallel_loop3A_233 = arith.index_cast %parallel_loop3A_231 : i32 to index
          %parallel_loop3A_234 = arith.index_cast %parallel_loop3A_229 : i32 to index
          %parallel_loop3A_235 = tpu.vector_load %arg9[%parallel_loop3A_232, %parallel_loop3A_233, %parallel_loop3A_234] {strides = array<i32>} : memref<2x16x512xf32, #tpu.memory_space<vmem>>, vector<16xf32>,
          tpu.vector_store_idx %arg10[%broadcast_in_dim3A_32, %parallel_loop3A_211], %parallel_loop3A_235 {add = true} : memref<16x128xf32, #tpu.memory_space<vmem>>[vector<16xi32>, vector<16xi32>], vector<16xf32>,
          %parallel_loop3A_236 = arith.constant 16 : i32
          %parallel_loop3A_237 = arith.muli %parallel_loop3A_202, %parallel_loop3A_236 : i32
          %parallel_loop3A_238 = arith.constant 1 : i32
          %parallel_loop3A_239 = arith.constant 3 : i32
          %parallel_loop3A_240 = arith.index_cast %parallel_loop3A_238 : i32 to index
          %parallel_loop3A_241 = arith.index_cast %parallel_loop3A_239 : i32 to index
          %parallel_loop3A_242 = arith.index_cast %parallel_loop3A_237 : i32 to index
          %parallel_loop3A_243 = tpu.vector_load %arg9[%parallel_loop3A_240, %parallel_loop3A_241, %parallel_loop3A_242] {strides = array<i32>} : memref<2x16x512xf32, #tpu.memory_space<vmem>>, vector<16xf32>,
          tpu.vector_store_idx %arg10[%broadcast_in_dim3A_34, %parallel_loop3A_211], %parallel_loop3A_243 {add = true} : memref<16x128xf32, #tpu.memory_space<vmem>>[vector<16xi32>, vector<16xi32>], vector<16xf32>,
          %parallel_loop3A_244 = arith.constant 16 : i32
          %parallel_loop3A_245 = arith.muli %parallel_loop3A_202, %parallel_loop3A_244 : i32
          %parallel_loop3A_246 = arith.constant 1 : i32
          %parallel_loop3A_247 = arith.constant 4 : i32
          %parallel_loop3A_248 = arith.index_cast %parallel_loop3A_246 : i32 to index
          %parallel_loop3A_249 = arith.index_cast %parallel_loop3A_247 : i32 to index
          %parallel_loop3A_250 = arith.index_cast %parallel_loop3A_245 : i32 to index
          %parallel_loop3A_251 = tpu.vector_load %arg9[%parallel_loop3A_248, %parallel_loop3A_249, %parallel_loop3A_250] {strides = array<i32>} : memref<2x16x512xf32, #tpu.memory_space<vmem>>, vector<16xf32>,
          tpu.vector_store_idx %arg10[%broadcast_in_dim3A_36, %parallel_loop3A_211], %parallel_loop3A_251 {add = true} : memref<16x128xf32, #tpu.memory_space<vmem>>[vector<16xi32>, vector<16xi32>], vector<16xf32>,
          %parallel_loop3A_252 = arith.constant 16 : i32
          %parallel_loop3A_253 = arith.muli %parallel_loop3A_202, %parallel_loop3A_252 : i32
          %parallel_loop3A_254 = arith.constant 1 : i32
          %parallel_loop3A_255 = arith.constant 5 : i32
          %parallel_loop3A_256 = arith.index_cast %parallel_loop3A_254 : i32 to index
          %parallel_loop3A_257 = arith.index_cast %parallel_loop3A_255 : i32 to index
          %parallel_loop3A_258 = arith.index_cast %parallel_loop3A_253 : i32 to index
          %parallel_loop3A_259 = tpu.vector_load %arg9[%parallel_loop3A_256, %parallel_loop3A_257, %parallel_loop3A_258] {strides = array<i32>} : memref<2x16x512xf32, #tpu.memory_space<vmem>>, vector<16xf32>,
          tpu.vector_store_idx %arg10[%broadcast_in_dim3A_38, %parallel_loop3A_211], %parallel_loop3A_259 {add = true} : memref<16x128xf32, #tpu.memory_space<vmem>>[vector<16xi32>, vector<16xi32>], vector<16xf32>,
          %parallel_loop3A_260 = arith.constant 16 : i32
          %parallel_loop3A_261 = arith.muli %parallel_loop3A_202, %parallel_loop3A_260 : i32
          %parallel_loop3A_262 = arith.constant 1 : i32
          %parallel_loop3A_263 = arith.constant 6 : i32
          %parallel_loop3A_264 = arith.index_cast %parallel_loop3A_262 : i32 to index
          %parallel_loop3A_265 = arith.index_cast %parallel_loop3A_263 : i32 to index
          %parallel_loop3A_266 = arith.index_cast %parallel_loop3A_261 : i32 to index
          %parallel_loop3A_267 = tpu.vector_load %arg9[%parallel_loop3A_264, %parallel_loop3A_265, %parallel_loop3A_266] {strides = array<i32>} : memref<2x16x512xf32, #tpu.memory_space<vmem>>, vector<16xf32>,
          tpu.vector_store_idx %arg10[%broadcast_in_dim3A_40, %parallel_loop3A_211], %parallel_loop3A_267 {add = true} : memref<16x128xf32, #tpu.memory_space<vmem>>[vector<16xi32>, vector<16xi32>], vector<16xf32>,
          %parallel_loop3A_268 = arith.constant 16 : i32
          %parallel_loop3A_269 = arith.muli %parallel_loop3A_202, %parallel_loop3A_268 : i32
          %parallel_loop3A_270 = arith.constant 1 : i32
          %parallel_loop3A_271 = arith.constant 7 : i32
          %parallel_loop3A_272 = arith.index_cast %parallel_loop3A_270 : i32 to index
          %parallel_loop3A_273 = arith.index_cast %parallel_loop3A_271 : i32 to index
          %parallel_loop3A_274 = arith.index_cast %parallel_loop3A_269 : i32 to index
          %parallel_loop3A_275 = tpu.vector_load %arg9[%parallel_loop3A_272, %parallel_loop3A_273, %parallel_loop3A_274] {strides = array<i32>} : memref<2x16x512xf32, #tpu.memory_space<vmem>>, vector<16xf32>,
          tpu.vector_store_idx %arg10[%broadcast_in_dim3A_42, %parallel_loop3A_211], %parallel_loop3A_275 {add = true} : memref<16x128xf32, #tpu.memory_space<vmem>>[vector<16xi32>, vector<16xi32>], vector<16xf32>,
          %parallel_loop3A_276 = arith.constant 16 : i32
          %parallel_loop3A_277 = arith.muli %parallel_loop3A_202, %parallel_loop3A_276 : i32
          %parallel_loop3A_278 = arith.constant 1 : i32
          %parallel_loop3A_279 = arith.constant 8 : i32
          %parallel_loop3A_280 = arith.index_cast %parallel_loop3A_278 : i32 to index
          %parallel_loop3A_281 = arith.index_cast %parallel_loop3A_279 : i32 to index
          %parallel_loop3A_282 = arith.index_cast %parallel_loop3A_277 : i32 to index
          %parallel_loop3A_283 = tpu.vector_load %arg9[%parallel_loop3A_280, %parallel_loop3A_281, %parallel_loop3A_282] {strides = array<i32>} : memref<2x16x512xf32, #tpu.memory_space<vmem>>, vector<16xf32>,
          tpu.vector_store_idx %arg10[%broadcast_in_dim3A_44, %parallel_loop3A_211], %parallel_loop3A_283 {add = true} : memref<16x128xf32, #tpu.memory_space<vmem>>[vector<16xi32>, vector<16xi32>], vector<16xf32>,
          %parallel_loop3A_284 = arith.constant 16 : i32
          %parallel_loop3A_285 = arith.muli %parallel_loop3A_202, %parallel_loop3A_284 : i32
          %parallel_loop3A_286 = arith.constant 1 : i32
          %parallel_loop3A_287 = arith.constant 9 : i32
          %parallel_loop3A_288 = arith.index_cast %parallel_loop3A_286 : i32 to index
          %parallel_loop3A_289 = arith.index_cast %parallel_loop3A_287 : i32 to index
          %parallel_loop3A_290 = arith.index_cast %parallel_loop3A_285 : i32 to index
          %parallel_loop3A_291 = tpu.vector_load %arg9[%parallel_loop3A_288, %parallel_loop3A_289, %parallel_loop3A_290] {strides = array<i32>} : memref<2x16x512xf32, #tpu.memory_space<vmem>>, vector<16xf32>,
          tpu.vector_store_idx %arg10[%broadcast_in_dim3A_46, %parallel_loop3A_211], %parallel_loop3A_291 {add = true} : memref<16x128xf32, #tpu.memory_space<vmem>>[vector<16xi32>, vector<16xi32>], vector<16xf32>,
          %parallel_loop3A_292 = arith.constant 16 : i32
          %parallel_loop3A_293 = arith.muli %parallel_loop3A_202, %parallel_loop3A_292 : i32
          %parallel_loop3A_294 = arith.constant 1 : i32
          %parallel_loop3A_295 = arith.constant 10 : i32
          %parallel_loop3A_296 = arith.index_cast %parallel_loop3A_294 : i32 to index
          %parallel_loop3A_297 = arith.index_cast %parallel_loop3A_295 : i32 to index
          %parallel_loop3A_298 = arith.index_cast %parallel_loop3A_293 : i32 to index
          %parallel_loop3A_299 = tpu.vector_load %arg9[%parallel_loop3A_296, %parallel_loop3A_297, %parallel_loop3A_298] {strides = array<i32>} : memref<2x16x512xf32, #tpu.memory_space<vmem>>, vector<16xf32>,
          tpu.vector_store_idx %arg10[%broadcast_in_dim3A_48, %parallel_loop3A_211], %parallel_loop3A_299 {add = true} : memref<16x128xf32, #tpu.memory_space<vmem>>[vector<16xi32>, vector<16xi32>], vector<16xf32>,
          %parallel_loop3A_300 = arith.constant 16 : i32
          %parallel_loop3A_301 = arith.muli %parallel_loop3A_202, %parallel_loop3A_300 : i32
          %parallel_loop3A_302 = arith.constant 1 : i32
          %parallel_loop3A_303 = arith.constant 11 : i32
          %parallel_loop3A_304 = arith.index_cast %parallel_loop3A_302 : i32 to index
          %parallel_loop3A_305 = arith.index_cast %parallel_loop3A_303 : i32 to index
          %parallel_loop3A_306 = arith.index_cast %parallel_loop3A_301 : i32 to index
          %parallel_loop3A_307 = tpu.vector_load %arg9[%parallel_loop3A_304, %parallel_loop3A_305, %parallel_loop3A_306] {strides = array<i32>} : memref<2x16x512xf32, #tpu.memory_space<vmem>>, vector<16xf32>,
          tpu.vector_store_idx %arg10[%broadcast_in_dim3A_50, %parallel_loop3A_211], %parallel_loop3A_307 {add = true} : memref<16x128xf32, #tpu.memory_space<vmem>>[vector<16xi32>, vector<16xi32>], vector<16xf32>,
          %parallel_loop3A_308 = arith.constant 16 : i32
          %parallel_loop3A_309 = arith.muli %parallel_loop3A_202, %parallel_loop3A_308 : i32
          %parallel_loop3A_310 = arith.constant 1 : i32
          %parallel_loop3A_311 = arith.constant 12 : i32
          %parallel_loop3A_312 = arith.index_cast %parallel_loop3A_310 : i32 to index
          %parallel_loop3A_313 = arith.index_cast %parallel_loop3A_311 : i32 to index
          %parallel_loop3A_314 = arith.index_cast %parallel_loop3A_309 : i32 to index
          %parallel_loop3A_315 = tpu.vector_load %arg9[%parallel_loop3A_312, %parallel_loop3A_313, %parallel_loop3A_314] {strides = array<i32>} : memref<2x16x512xf32, #tpu.memory_space<vmem>>, vector<16xf32>,
          tpu.vector_store_idx %arg10[%broadcast_in_dim3A_52, %parallel_loop3A_211], %parallel_loop3A_315 {add = true} : memref<16x128xf32, #tpu.memory_space<vmem>>[vector<16xi32>, vector<16xi32>], vector<16xf32>,
          %parallel_loop3A_316 = arith.constant 16 : i32
          %parallel_loop3A_317 = arith.muli %parallel_loop3A_202, %parallel_loop3A_316 : i32
          %parallel_loop3A_318 = arith.constant 1 : i32
          %parallel_loop3A_319 = arith.constant 13 : i32
          %parallel_loop3A_320 = arith.index_cast %parallel_loop3A_318 : i32 to index
          %parallel_loop3A_321 = arith.index_cast %parallel_loop3A_319 : i32 to index
          %parallel_loop3A_322 = arith.index_cast %parallel_loop3A_317 : i32 to index
          %parallel_loop3A_323 = tpu.vector_load %arg9[%parallel_loop3A_320, %parallel_loop3A_321, %parallel_loop3A_322] {strides = array<i32>} : memref<2x16x512xf32, #tpu.memory_space<vmem>>, vector<16xf32>,
          tpu.vector_store_idx %arg10[%broadcast_in_dim3A_54, %parallel_loop3A_211], %parallel_loop3A_323 {add = true} : memref<16x128xf32, #tpu.memory_space<vmem>>[vector<16xi32>, vector<16xi32>], vector<16xf32>,
          %parallel_loop3A_324 = arith.constant 16 : i32
          %parallel_loop3A_325 = arith.muli %parallel_loop3A_202, %parallel_loop3A_324 : i32
          %parallel_loop3A_326 = arith.constant 1 : i32
          %parallel_loop3A_327 = arith.constant 14 : i32
          %parallel_loop3A_328 = arith.index_cast %parallel_loop3A_326 : i32 to index
          %parallel_loop3A_329 = arith.index_cast %parallel_loop3A_327 : i32 to index
          %parallel_loop3A_330 = arith.index_cast %parallel_loop3A_325 : i32 to index
          %parallel_loop3A_331 = tpu.vector_load %arg9[%parallel_loop3A_328, %parallel_loop3A_329, %parallel_loop3A_330] {strides = array<i32>} : memref<2x16x512xf32, #tpu.memory_space<vmem>>, vector<16xf32>,
          tpu.vector_store_idx %arg10[%broadcast_in_dim3A_56, %parallel_loop3A_211], %parallel_loop3A_331 {add = true} : memref<16x128xf32, #tpu.memory_space<vmem>>[vector<16xi32>, vector<16xi32>], vector<16xf32>,
          %parallel_loop3A_332 = arith.constant 16 : i32
          %parallel_loop3A_333 = arith.muli %parallel_loop3A_202, %parallel_loop3A_332 : i32
          %parallel_loop3A_334 = arith.constant 1 : i32
          %parallel_loop3A_335 = arith.constant 15 : i32
          %parallel_loop3A_336 = arith.index_cast %parallel_loop3A_334 : i32 to index
          %parallel_loop3A_337 = arith.index_cast %parallel_loop3A_335 : i32 to index
          %parallel_loop3A_338 = arith.index_cast %parallel_loop3A_333 : i32 to index
          %parallel_loop3A_339 = tpu.vector_load %arg9[%parallel_loop3A_336, %parallel_loop3A_337, %parallel_loop3A_338] {strides = array<i32>} : memref<2x16x512xf32, #tpu.memory_space<vmem>>, vector<16xf32>,
          tpu.vector_store_idx %arg10[%broadcast_in_dim3A_58, %parallel_loop3A_211], %parallel_loop3A_339 {add = true} : memref<16x128xf32, #tpu.memory_space<vmem>>[vector<16xi32>, vector<16xi32>], vector<16xf32>,
        } {sc.loop_unroll_factor = 2 : i64, sc.parallel_access}
        %add3A_196 = arith.constant 2 : i32
        %add3A_197 = arith.addi %add3A_151, %add3A_196 : i32
        %lt3A_198 = arith.cmpi slt, %add3A_197, %add3A_3 : i32
        %convert_element_type3A_199 = arith.extui %lt3A_198 : i1 to i32
        %cond3A_200 = arith.constant 0 : i32
        %cond3A_201 = arith.cmpi ne, %convert_element_type3A_199, %cond3A_200 : i32
        scf.if %cond3A_201 {
          %add3A_202 = arith.constant 2 : i32
          %add3A_203 = arith.addi %add3A_151, %add3A_202 : i32
          %mul3A_204 = arith.constant 32 : i32
          %mul3A_205 = arith.muli %add3A_203, %mul3A_204 : i32
          %add3A_206 = arith.addi %mul3A_205, %add3A : i32
          %mul3A_207 = arith.constant 512 : i32
          %mul3A_208 = arith.muli %add3A_206, %mul3A_207 : i32
          %dma_start3A_209 = arith.constant 1 : i32
          %dma_start3A_210 = arith.constant 1 : i32
          %dma_start3A_211 = arith.constant 0 : i32
          %dma_start3A_212 = arith.constant 0 : i32
          %dma_start3A_213 = tpu.memref_slice %arg8[%dma_start3A_209, %dma_start3A_211, %dma_start3A_212] : memref<2x2x512xi32, #tpu.memory_space<vmem>> -> memref<1x2x512xi32, #tpu.memory_space<vmem>>
          %dma_start3A_214 = tpu.memref_squeeze %dma_start3A_213 : memref<1x2x512xi32, #tpu.memory_space<vmem>> -> memref<2x512xi32, #tpu.memory_space<vmem>>
          %dma_start3A_215 = arith.constant 0 : i32
          %dma_start3A_216 = tpu.memref_slice %arg2[%dma_start3A_215, %mul3A_208] : memref<2x1600000xi32, #tpu.memory_space<hbm>> -> memref<2x512xi32, #tpu.memory_space<hbm>>
          %dma_start3A_217 = tpu.memref_slice %arg12[%dma_start3A_210] : memref<2x!tpu.dma_semaphore, #tpu.memory_space<semaphore_mem>> -> memref<1x!tpu.dma_semaphore, #tpu.memory_space<semaphore_mem>>
          %dma_start3A_218 = tpu.memref_squeeze %dma_start3A_217 : memref<1x!tpu.dma_semaphore, #tpu.memory_space<semaphore_mem>> -> memref<!tpu.dma_semaphore, #tpu.memory_space<semaphore_mem>>
          %dma_start3A_219 = arith.constant 0 : i32
          %dma_start3A_220 = arith.constant 0 : i32
          %dma_start3A_221 = tpu.memref_slice %arg8[%dma_start3A_209, %dma_start3A_219, %dma_start3A_220] : memref<2x2x512xi32, #tpu.memory_space<vmem>> -> memref<1x2x512xi32, #tpu.memory_space<vmem>>
          %dma_start3A_222 = tpu.memref_squeeze %dma_start3A_221 : memref<1x2x512xi32, #tpu.memory_space<vmem>> -> memref<2x512xi32, #tpu.memory_space<vmem>>
          %dma_start3A_223 = arith.constant 0 : i32
          %dma_start3A_224 = tpu.memref_slice %arg2[%dma_start3A_223, %mul3A_208] : memref<2x1600000xi32, #tpu.memory_space<hbm>> -> memref<2x512xi32, #tpu.memory_space<hbm>>
          tpu.enqueue_dma source(%dma_start3A_224 : memref<2x512xi32, #tpu.memory_space<hbm>>) target(%dma_start3A_222 : memref<2x512xi32, #tpu.memory_space<vmem>>) target_semaphore(%dma_start3A_218 : memref<!tpu.dma_semaphore, #tpu.memory_space<semaphore_mem>>)
          %mul3A_225 = arith.constant 512 : i32
          %mul3A_226 = arith.muli %add3A_206, %mul3A_225 : i32
          %dma_start3A_227 = arith.constant 1 : i32
          %dma_start3A_228 = arith.constant 1 : i32
          %dma_start3A_229 = arith.constant 0 : i32
          %dma_start3A_230 = arith.constant 0 : i32
          %dma_start3A_231 = tpu.memref_slice %arg9[%dma_start3A_227, %dma_start3A_229, %dma_start3A_230] : memref<2x16x512xf32, #tpu.memory_space<vmem>> -> memref<1x16x512xf32, #tpu.memory_space<vmem>>
          %dma_start3A_232 = tpu.memref_squeeze %dma_start3A_231 : memref<1x16x512xf32, #tpu.memory_space<vmem>> -> memref<16x512xf32, #tpu.memory_space<vmem>>
          %dma_start3A_233 = arith.constant 0 : i32
          %dma_start3A_234 = tpu.memref_slice %arg3[%dma_start3A_233, %mul3A_226] : memref<16x1600000xf32, #tpu.memory_space<hbm>> -> memref<16x512xf32, #tpu.memory_space<hbm>>
          %dma_start3A_235 = tpu.memref_slice %arg13[%dma_start3A_228] : memref<2x!tpu.dma_semaphore, #tpu.memory_space<semaphore_mem>> -> memref<1x!tpu.dma_semaphore, #tpu.memory_space<semaphore_mem>>
          %dma_start3A_236 = tpu.memref_squeeze %dma_start3A_235 : memref<1x!tpu.dma_semaphore, #tpu.memory_space<semaphore_mem>> -> memref<!tpu.dma_semaphore, #tpu.memory_space<semaphore_mem>>
          %dma_start3A_237 = arith.constant 0 : i32
          %dma_start3A_238 = arith.constant 0 : i32
          %dma_start3A_239 = tpu.memref_slice %arg9[%dma_start3A_227, %dma_start3A_237, %dma_start3A_238] : memref<2x16x512xf32, #tpu.memory_space<vmem>> -> memref<1x16x512xf32, #tpu.memory_space<vmem>>
          %dma_start3A_240 = tpu.memref_squeeze %dma_start3A_239 : memref<1x16x512xf32, #tpu.memory_space<vmem>> -> memref<16x512xf32, #tpu.memory_space<vmem>>
          %dma_start3A_241 = arith.constant 0 : i32
          %dma_start3A_242 = tpu.memref_slice %arg3[%dma_start3A_241, %mul3A_226] : memref<16x1600000xf32, #tpu.memory_space<hbm>> -> memref<16x512xf32, #tpu.memory_space<hbm>>
          tpu.enqueue_dma source(%dma_start3A_242 : memref<16x512xf32, #tpu.memory_space<hbm>>) target(%dma_start3A_240 : memref<16x512xf32, #tpu.memory_space<vmem>>) target_semaphore(%dma_start3A_236 : memref<!tpu.dma_semaphore, #tpu.memory_space<semaphore_mem>>)
        } else {
        }
      } else {
      }
    }
    %scan3A_139 = arith.constant 49 : i32
    "tpu.region"() ({
      %run_scoped3A = tpu.sem_alloc : memref<!tpu.dma_semaphore, #tpu.memory_space<semaphore_mem>>
      %dma_start3A_140 = arith.constant 0 : i32
      %dma_start3A_141 = arith.constant 0 : i32
      %dma_start3A_142 = tpu.memref_slice %arg5[%add3A, %dma_start3A_140, %dma_start3A_141] : memref<32x16x128xf32, #tpu.memory_space<hbm>> -> memref<1x16x128xf32, #tpu.memory_space<hbm>>
      %dma_start3A_143 = tpu.memref_squeeze %dma_start3A_142 : memref<1x16x128xf32, #tpu.memory_space<hbm>> -> memref<16x128xf32, #tpu.memory_space<hbm>>
      %dma_start3A_144 = arith.constant 0 : i32
      %dma_start3A_145 = arith.constant 0 : i32
      %dma_start3A_146 = tpu.memref_slice %arg5[%add3A, %dma_start3A_144, %dma_start3A_145] : memref<32x16x128xf32, #tpu.memory_space<hbm>> -> memref<1x16x128xf32, #tpu.memory_space<hbm>>
      %dma_start3A_147 = tpu.memref_squeeze %dma_start3A_146 : memref<1x16x128xf32, #tpu.memory_space<hbm>> -> memref<16x128xf32, #tpu.memory_space<hbm>>
      tpu.enqueue_dma source(%arg10 : memref<16x128xf32, #tpu.memory_space<vmem>>) target(%dma_start3A_147 : memref<16x128xf32, #tpu.memory_space<hbm>>) target_semaphore(%run_scoped3A : memref<!tpu.dma_semaphore, #tpu.memory_space<semaphore_mem>>)
      %dma_wait3A = arith.constant 0 : i32
      %dma_wait3A_148 = arith.constant 0 : i32
      %dma_wait3A_149 = tpu.memref_slice %arg5[%add3A, %dma_wait3A, %dma_wait3A_148] : memref<32x16x128xf32, #tpu.memory_space<hbm>> -> memref<1x16x128xf32, #tpu.memory_space<hbm>>
      %dma_wait3A_150 = tpu.memref_squeeze %dma_wait3A_149 : memref<1x16x128xf32, #tpu.memory_space<hbm>> -> memref<16x128xf32, #tpu.memory_space<hbm>>
      %dma_wait3A_151 = arith.constant 0 : i32
      %dma_wait3A_152 = arith.constant 0 : i32
      %dma_wait3A_153 = tpu.memref_slice %arg5[%add3A, %dma_wait3A_151, %dma_wait3A_152] : memref<32x16x128xf32, #tpu.memory_space<hbm>> -> memref<1x16x128xf32, #tpu.memory_space<hbm>>
      %dma_wait3A_154 = tpu.memref_squeeze %dma_wait3A_153 : memref<1x16x128xf32, #tpu.memory_space<hbm>> -> memref<16x128xf32, #tpu.memory_space<hbm>>
      tpu.wait_dma2 semaphore(%run_scoped3A : memref<!tpu.dma_semaphore, #tpu.memory_space<semaphore_mem>>) src(%arg10 : memref<16x128xf32, #tpu.memory_space<vmem>>) dst(%dma_wait3A_154 : memref<16x128xf32, #tpu.memory_space<hbm>>)
      tpu.yield
    }) : () -> ()
    "tpu.region"() ({
      %run_scoped3A = tpu.sem_alloc : memref<!tpu.dma_semaphore, #tpu.memory_space<semaphore_mem>>
      %dma_start3A_140 = arith.constant 0 : i32
      %dma_start3A_141 = tpu.memref_slice %arg6[%add3A, %dma_start3A_140] : memref<32x128xf32, #tpu.memory_space<hbm>> -> memref<1x128xf32, #tpu.memory_space<hbm>>
      %dma_start3A_142 = tpu.memref_squeeze %dma_start3A_141 : memref<1x128xf32, #tpu.memory_space<hbm>> -> memref<128xf32, #tpu.memory_space<hbm>>
      %dma_start3A_143 = arith.constant 0 : i32
      %dma_start3A_144 = tpu.memref_slice %arg6[%add3A, %dma_start3A_143] : memref<32x128xf32, #tpu.memory_space<hbm>> -> memref<1x128xf32, #tpu.memory_space<hbm>>
      %dma_start3A_145 = tpu.memref_squeeze %dma_start3A_144 : memref<1x128xf32, #tpu.memory_space<hbm>> -> memref<128xf32, #tpu.memory_space<hbm>>
      tpu.enqueue_dma source(%arg11 : memref<128xf32, #tpu.memory_space<vmem>>) target(%dma_start3A_145 : memref<128xf32, #tpu.memory_space<hbm>>) target_semaphore(%run_scoped3A : memref<!tpu.dma_semaphore, #tpu.memory_space<semaphore_mem>>)
      %dma_wait3A = arith.constant 0 : i32
      %dma_wait3A_146 = tpu.memref_slice %arg6[%add3A, %dma_wait3A] : memref<32x128xf32, #tpu.memory_space<hbm>> -> memref<1x128xf32, #tpu.memory_space<hbm>>
      %dma_wait3A_147 = tpu.memref_squeeze %dma_wait3A_146 : memref<1x128xf32, #tpu.memory_space<hbm>> -> memref<128xf32, #tpu.memory_space<hbm>>
      %dma_wait3A_148 = arith.constant 0 : i32
      %dma_wait3A_149 = tpu.memref_slice %arg6[%add3A, %dma_wait3A_148] : memref<32x128xf32, #tpu.memory_space<hbm>> -> memref<1x128xf32, #tpu.memory_space<hbm>>
      %dma_wait3A_150 = tpu.memref_squeeze %dma_wait3A_149 : memref<1x128xf32, #tpu.memory_space<hbm>> -> memref<128xf32, #tpu.memory_space<hbm>>
      tpu.wait_dma2 semaphore(%run_scoped3A : memref<!tpu.dma_semaphore, #tpu.memory_space<semaphore_mem>>) src(%arg11 : memref<128xf32, #tpu.memory_space<vmem>>) dst(%dma_wait3A_150 : memref<128xf32, #tpu.memory_space<hbm>>)
      tpu.yield
    }) : () -> ()
    return
  }
}

module attributes {stable_mosaic.version = 14 : i64} {
  func.func @_fin_body(%arg0: memref<32x16x128xf32, #tpu.memory_space<vmem>>, %arg1: memref<32x128xf32, #tpu.memory_space<vmem>>, %arg2: memref<128x16xf32, #tpu.memory_space<vmem>>) attributes {dimension_semantics = [], scalar_prefetch = 0 : i64, scratch_operands = 0 : i64, tpu.core_type = #tpu.core_type<tc>} {
    %get3A = arith.constant 0 : index
    %get3A_0 = arith.constant 0 : index
    %get3A_1 = arith.constant 0 : index
    %get3A_2 = vector.load %arg0[%get3A, %get3A_0, %get3A_1] : memref<32x16x128xf32, #tpu.memory_space<vmem>>, vector<32x16x128xf32>
    %reduce_sum3A = arith.constant dense<0.000000e+00> : vector<16x128xf32>
    %reduce_sum3A_3 = vector.multi_reduction <add>, %get3A_2, %reduce_sum3A [0] : vector<32x16x128xf32> to vector<16x128xf32>
    %get3A_4 = arith.constant 0 : index
    %get3A_5 = arith.constant 0 : index
    %get3A_6 = vector.load %arg1[%get3A_4, %get3A_5] : memref<32x128xf32, #tpu.memory_space<vmem>>, vector<32x128xf32>
    %reduce_sum3A_7 = arith.constant dense<0.000000e+00> : vector<128xf32>
    %reduce_sum3A_8 = vector.multi_reduction <add>, %get3A_6, %reduce_sum3A_7 [0] : vector<32x128xf32> to vector<128xf32>
    %broadcast_in_dim3A = vector.shape_cast %reduce_sum3A_8 : vector<128xf32> to vector<1x128xf32>
    %gt3A = arith.constant 0.000000e+00 : f32
    %gt3A_9 = vector.broadcast %gt3A : f32 to vector<1x128xf32>
    %gt3A_10 = arith.cmpf ogt, %broadcast_in_dim3A, %gt3A_9 : vector<1x128xf32>
    %max3A = arith.constant 1.000000e+00 : f32
    %max3A_11 = vector.broadcast %max3A : f32 to vector<1x128xf32>
    %max3A_12 = arith.maximumf %broadcast_in_dim3A, %max3A_11 : vector<1x128xf32>
    %div3A = vector.broadcast %max3A_12 : vector<1x128xf32> to vector<16x128xf32>
    %div3A_13 = arith.divf %reduce_sum3A_3, %div3A : vector<16x128xf32>
    %jit3A = arith.constant 0.000000e+00 : f32
    %broadcast_in_dim3A_14 = vector.shape_cast %gt3A_10 : vector<1x128xi1> to vector<1x128xi1>
    %broadcast_in_dim3A_15 = vector.broadcast %broadcast_in_dim3A_14 : vector<1x128xi1> to vector<16x128xi1>
    %broadcast_in_dim3A_16 = vector.broadcast %jit3A : f32 to vector<16x128xf32>
    %select_n3A = arith.select %broadcast_in_dim3A_15, %div3A_13, %broadcast_in_dim3A_16 : vector<16x128xi1>, vector<16x128xf32>
    %transpose3A = tpu.transpose %select_n3A, [1, 0] : vector<16x128xf32> -> vector<128x16xf32>
    %swap3A = arith.constant 0 : index
    %swap3A_17 = arith.constant 0 : index
    %swap3A_18 = vector.load %arg2[%swap3A, %swap3A_17] : memref<128x16xf32, #tpu.memory_space<vmem>>, vector<128x16xf32>
    tpu.vector_store %arg2[%swap3A, %swap3A_17], %transpose3A {strides = array<i32>} : memref<128x16xf32, #tpu.memory_space<vmem>>, vector<128x16xf32>,
    return
  }
}

</mosaic_0001>

<sc_bundles>
// kernel: kernel.4.cloned.1.call-start
scs
__scs_entry_jumppad:
0x0: {  	(pc) =	sbr.rel $0x88, $3  }
0x1: {  	(tag) =	ssettag $0x0;
	lr =	simm.s32 $0x1  }
0x2: {  	[smem:$0x3F9E] =	sst lr;
	_ =	strace $0xD0000000  }
0x3: {  	_ = 	snop  }
0x4: {  	_ = 	snop  }
0x5: {  	_ = 	snop  }
0x6: {  	_ = 	snop  }
0x7: {  	_ = 	snop  }
__scs_overlays_trampoline_lowered:
0x8: {  	[smem:$0x3FAD] =	sst s0  }
0x9: {  	[smem:$0x3FAE] =	sst s1  }
0xa: {  	[smem:$0x3FAF] =	sst s2  }
0xb: {  	[smem:$0x3FB0] =	sst s3  }
0xc: {  	[smem:$0x3FB1] =	sst s4  }
0xd: {  	[smem:$0x3FB2] =	sst s5  }
0xe: {  	[smem:$0x3FB3] =	sst s6  }
0xf: {  	[smem:$0x3FB4] =	sst s7  }
0x10: {  	[smem:$0x3FB5] =	sst s8  }
0x11: {  	[smem:$0x3FB6] =	sst s9;
	s0 =	simm.s32 @!p0 $0x0  }
0x12: {  	s1 =	sld [smem:$0x3F9C];
	s0 =	simm.s32 @p0 $0x1  }
0x13: {  	[smem:$0x3FB7] =	sst s0;
	s0 =	simm.s32 @!p1 $0x0  }
0x14: {  	s2 =	sld [smem:$0x3F9B];
	s0 =	simm.s32 @p1 $0x1  }
0x15: {  	[smem:$0x3FB8] =	sst s0;
	s0 =	simm.s32 @!p2 $0x0  }
0x16: {  	s3 =	sld [smem:$0x3FDB];
	s0 =	simm.s32 @p2 $0x1  }
0x17: {  	s4 =	simm.s32 $0x1BF5;
	[smem:$0x3FBA] =	sst s0  }
0x18: {  	s0 =	sld [smem:$0x3F9D];
	_ =	swait.ge [sflag:s4], $0x0  }
0x19: {  	s7 =	sld [smem:$0x3F9E]  }
0x1a: {  	s8 =	sadd.s32 $0xFFFFE003, lr  }
0x1b: {  	s9 =	sadd.s32 $0xFFFFFEF7, lr;
	s5 =	simm.s32 $0xFFFFFFFF;
	p2 =	slt.u32 s8, $0xFFFFF086  }
0x1c: {  	p1 =	slt.u32 s9, $0xF7A;
	s5 =	simm.s32 @!p2 $0x0  }
0x1d: {  	s5 =	simm.s32 @p1 $0x1;
	p0 =	seq.s32 s7, s2  }
0x1e: {  	s7 =	smul.u32 @!p0 $0xF7A, s2;
	p2 =	seq.s32 @!p0 s5, $0x0  }
0x1f: {  	s9 =	smul.u32 $0xF7A, s1;
	s8 =	simm.s32 @!p0 $0x1BF5;
	p2 =	por !p2, p0  }
0x20: {  	[sflag:s8] =	ssyncset.s32 @!p0 $0xFFFFF086;
	s6 =	sadd.s32 @!p0 s3, s7;
	s7 =	simm.s32 @!p0 $0x108  }
0x21: {  	s3 =	sadd.s32 s3, s9;
	s6 =	sadd.s32 @!p0 $0x88, s6;
	s7 =	simm.s32 @p2 $0x1082  }
0x22: {  	[simem:s7], [sflag:s8] =	dma.local @!p0 [hbm:s6], $0xF7A  }
0x23: {  	s9 =	sor.u32 $0xD0000000, s2;
	s6 =	simm.s32 $0x108;
	_ =	swait.ge @!p0 [sflag:s8], $0x0  }
0x24: {  	s3 =	sadd.s32 $0x88, s3;
	s6 =	simm.s32 @!p1 $0x1082;
	[sflag:s4] =	ssyncset.s32 $0xFFFFF086  }
0x25: {  	[simem:s6], [sflag:s4] =	dma.local [hbm:s3], $0xF7A  }
0x26: {  	[smem:$0x3F9E] =	sst s1;
	(tag) =	ssettag s2;
	_ =	strace s9  }
0x27: {  	s1 =	sld [smem:$0x3FAE]  }
0x28: {  	s2 =	sld [smem:$0x3FAF]  }
0x29: {  	s4 =	sld [smem:$0x3FB1]  }
0x2a: {  	p0 =	seq.s32 s5, $0x0;
	s5 =	sld [smem:$0x3FB2]  }
0x2b: {  	s6 =	sld [smem:$0x3FB3]  }
0x2c: {  	s7 =	sld [smem:$0x3FB4]  }
0x2d: {  	s3 =	simm.s32 $0x108;
	s8 =	sld [smem:$0x3FB5]  }
0x2e: {  	s3 =	simm.s32 @!p0 $0x1082;
	s9 =	sld [smem:$0x3FB6]  }
0x2f: {  	lr =	sadd.s32 s0, s3;
	s0 =	sld [smem:$0x3FAD]  }
0x30: {  	s3 =	sld [smem:$0x3FB0]  }
0x31: {  	[smem:$0x3FB9] =	sst s10  }
0x32: {  	s10 =	sld [smem:$0x3FB7];
	_ =	sdelay $0x3  }
0x33: {  	p0 =	seq.s32 s10, $0x1;
	s10 =	sld [smem:$0x3FB9];
	_ =	sdelay $0x3  }
0x34: {  	[smem:$0x3FB9] =	sst s10  }
0x35: {  	s10 =	sld [smem:$0x3FB8];
	_ =	sdelay $0x3  }
0x36: {  	p1 =	seq.s32 s10, $0x1;
	s10 =	sld [smem:$0x3FB9];
	_ =	sdelay $0x3  }
0x37: {  	[smem:$0x3FB9] =	sst s10  }
0x38: {  	s10 =	sld [smem:$0x3FBA]  }
0x39: {  	_ = 	snop;
	(pc) =	sbr.ind lr, $3  }
0x3a: {  	_ = 	snop  }
0x3b: {  	_ = 	snop  }
0x3c: {  	p2 =	seq.s32 s10, $0x1;
	s10 =	sld [smem:$0x3FB9]  }
0x3d: {  	_ =	shalt  }
0x3e: {  	_ =	shalt  }
0x3f: {  	_ =	shalt  }
0x40: {  	_ =	shalt  }
0x41: {  	_ =	shalt  }
0x42: {  	_ =	shalt  }
0x43: {  	_ =	shalt  }
0x44: {  	_ =	shalt  }
0x45: {  	_ =	shalt  }
0x46: {  	_ =	shalt  }
0x47: {  	_ =	shalt  }
0x48: {  	_ =	shalt  }
0x49: {  	_ =	shalt  }
0x4a: {  	_ =	shalt  }
0x4b: {  	_ =	shalt  }
0x4c: {  	_ =	shalt  }
0x4d: {  	_ =	shalt  }
0x4e: {  	_ =	shalt  }
0x4f: {  	_ =	shalt  }
0x50: {  	_ =	shalt  }
0x51: {  	_ =	shalt  }
0x52: {  	_ =	shalt  }
0x53: {  	_ =	shalt  }
0x54: {  	_ =	shalt  }
0x55: {  	_ =	shalt  }
0x56: {  	_ =	shalt  }
0x57: {  	_ =	shalt  }
0x58: {  	_ =	shalt  }
0x59: {  	_ =	shalt  }
0x5a: {  	_ =	shalt  }
0x5b: {  	_ =	shalt  }
0x5c: {  	_ =	shalt  }
0x5d: {  	_ =	shalt  }
0x5e: {  	_ =	shalt  }
0x5f: {  	_ =	shalt  }
0x60: {  	_ =	shalt  }
0x61: {  	_ =	shalt  }
0x62: {  	_ =	shalt  }
0x63: {  	_ =	shalt  }
0x64: {  	_ =	shalt  }
0x65: {  	_ =	shalt  }
0x66: {  	_ =	shalt  }
0x67: {  	_ =	shalt  }
0x68: {  	_ =	shalt  }
0x69: {  	_ =	shalt  }
0x6a: {  	_ =	shalt  }
0x6b: {  	_ =	shalt  }
0x6c: {  	_ =	shalt  }
0x6d: {  	_ =	shalt  }
0x6e: {  	_ =	shalt  }
0x6f: {  	_ =	shalt  }
0x70: {  	_ =	shalt  }
0x71: {  	_ =	shalt  }
0x72: {  	_ =	shalt  }
0x73: {  	_ =	shalt  }
0x74: {  	_ =	shalt  }
0x75: {  	_ =	shalt  }
0x76: {  	_ =	shalt  }
0x77: {  	_ =	shalt  }
0x78: {  	_ =	shalt  }
0x79: {  	_ =	shalt  }
0x7a: {  	_ =	shalt  }
0x7b: {  	_ =	shalt  }
0x7c: {  	_ =	shalt  }
0x7d: {  	_ =	shalt  }
0x7e: {  	_ =	shalt  }
0x7f: {  	_ =	shalt  }
0x80: {  	_ =	shalt  }
0x81: {  	_ =	shalt  }
0x82: {  	_ =	shalt  }
0x83: {  	_ =	shalt  }
0x84: {  	_ =	shalt  }
0x85: {  	_ =	shalt  }
0x86: {  	_ =	shalt  }
0x87: {  	_ =	shalt  }
.Lfunc_end0:
.L_simem_size_0:
called_computation_lowered:
.L_overlay_start_0:
0x88: {  	s2 =	sld [smem:$0x3FD9]  }
0x89: {  	s3 =	sld [smem:$0x3FFE];
	_ =	sdelay $0x1  }
0x8a: {  	s1 =	srdreg.scid  }
0x8b: {  	s0 =	sand.u32 $0x1, s1  }
0x8c: {  	s17 =	sshll.u32 s0, $0xA;
	s2 =	sadd.s32 s3, s2  }
0x8d: {  	s2 =	sadd.s32 s2, s17  }
0x8e: {  	[smem:$0x3FC5] =	sst s2  }
0x8f: {  	_ = 	snop  }
0x90: {  	s2 =	sld [smem:$0x3FC9]  }
0x91: {  	s18 =	sld [smem:$0x3FC8]  }
0x92: {  	s4 =	sld [smem:$0x3FC7];
	(tm) =	ssettm $0x1  }
0x93: {  	s5 =	sld [smem:$0x3FFB];
	_ =	sdelay $0x3  }
0x94: {  	_ =	strace s5  }
0x95: {  	s5 =	sld [smem:$0x3FFC];
	_ =	sdelay $0x3  }
0x96: {  	_ =	strace s5  }
0x97: {  	s5 =	sld [smem:$0x3FFD];
	_ =	sdelay $0x3  }
0x98: {  	_ =	strace s5  }
0x99: {  	_ =	strace $0x8FFFFFFF  }
0x9a: {  	s19 =	sld [smem:$0x3FDB];
	_ =	sdelay $0x1  }
0x9b: {  	s6 =	simm.s32 $_scs_section_size  }
0x9c: {  	s7 =	simm.s32 $_size__tile_overlayer_lowered;
	s8 =	simm.s32 $_tile_overlayer_lowered  }
0x9d: {  	s22 =	simm.s32 $0x1BFF;
	s21 =	sshll.u32 s8, $0x1;
	s5 =	sadd.s32 s6, s19  }
0x9e: {  	s9 =	simm.s32 $0x0;
	s20 =	sshll.u32 s7, $0x1;
	s7 =	sadd.s32 s21, s5  }
0x9f: {  	[timem:s9], [sflag:s22] =	dma.local [hbm:s7], s20  }
0xa0: {  	_ =	swait.ge [sflag:s22], s20  }
0xa1: {  	s6 =	ssub.s32 $0x0, s20;
	[sflag:s22] =	ssyncset.done $0x0  }
0xa2: {  	[sflag:s22] =	ssyncadd.s32 s6;
	_ =	sdelay $0x1  }
0xa3: {  	s23 =	simm.s32 $0x1B8B  }
0xa4: {  	_ =	swait.ge [sflag:s23], $0x1  }
0xa5: {  	[sflag:s23] =	ssyncset.done $0x0  }
0xa6: {  	s25 =	simm.s32 $0x1B8E;
	s24 =	sld [smem:$0x3FFE];
	[sflag:s23] =	ssyncadd.s32 $0xFFFFFFFF  }
0xa7: {  	s26 =	simm.s32 $execute0_lowered;
	[smem:$0x3FD2] =	sst s25  }
0xa8: {  	s7 =	sshll.u32 s26, $0x1;
	_ =	strace $0x80000046;
	[dreg:$0x1] =	wrdreg $0xFFFFFFFF  }
0xa9: {  	s28 =	simm.s32 $_size_execute0_lowered;
	s5 =	sadd.s32 s5, s7;
	[dreg:$0x0] =	wrdreg $0x0  }
0xaa: {  	s7 =	sshll.u32 s28, $0x1;
	[dreg:$0x2] =	wrdreg s5  }
0xab: {  	[dreg:$0x3] =	wrdreg s7  }
0xac: {  	[dreg:$0x4] =	wrdreg $0xC0  }
0xad: {  	_ =	task [dreg:s9], $0x5FFFF  }
0xae: {  	[dreg:$0x1] =	wrdreg $0xFFFFFFFF  }
0xaf: {  	[dreg:$0x0] =	wrdreg $0x60  }
0xb0: {  	[dreg:$0x2] =	wrdreg s2  }
0xb1: {  	[dreg:$0x3] =	wrdreg s18  }
0xb2: {  	[dreg:$0x4] =	wrdreg s4  }
0xb3: {  	[dreg:$0x5] =	wrdreg s24  }
0xb4: {  	[dreg:$0x6] =	wrdreg $0x9  }
0xb5: {  	_ =	task.clear_ibuf [dreg:s9], $0x7FFFF;
	_ =	strace $0x90000046  }
0xb6: {  	s29 =	simm.s32 $0x9;
	_ =	strace $0x80000048  }
0xb7: {  	_ =	swait.ge [sflag:s29], $0x1  }
0xb8: {  	[sflag:s29] =	ssyncadd.s32 $0xFFFFFFFF  }
0xb9: {  	_ =	strace $0x90000048  }
0xba: {  	_ =	sfence  }
0xbb: {  	s30 =	sld [smem:$0x0];
	_ =	sdelay $0x2  }
0xbc: {  	s31 =	sshll.u32 s1, $0xD;
	s1 =	sshrl.u32 s1, $0x2  }
0xbd: {  	s3 =	sand.u32 $0x4000, s31;
	s1 =	sadd.s32 s1, s30  }
0xbe: {  	s0 =	sor.u32 s3, s0;
	s1 =	sshll.u32 s1, $0x11  }
0xbf: {  	s0 =	sor.u32 s1, s0  }
0xc0: {  	s0 =	sadd.s32 $0x8F2B, s0  }
0xc1: {  	[sflag:s0] =	ssyncadd.remote.s32 $0x1  }
0xc2: {  	_ =	sfence.sel $0xFFFF  }
0xc3: {  	[dreg:$0x0] =	wrdreg $0xFFFFFFFF;
	(pc) =	sbr.abs _section_cstart, $3  }
0xc4: {  	[dreg:$0x1] =	wrdreg $0xFFFFFFFF  }
0xc5: {  	_ =	task.clear_ibuf [dreg:s9], $0x2FFFF;
	_ =	strace $0x9FFFFFFF  }
0xc6: {  	(tm) =	ssettm $0x7FFFFFFF  }
0xc7: {  	_ =	shalt  }
tec
execute0_lowered:
.L_overlay_start_1:
0x0: {  	(tag) =	ssettag $0x1  }
0x1: {  	s30 =	rddreg [dreg:$0x0]  }
0x2: {  	s23 =	rddreg [dreg:$0x1]  }
0x3: {  	s0 =	rddreg [dreg:$0x3]  }
0x4: {  	s5 =	simm.s32 $0x0;
	s3 =	srdreg.scid;
	s1 =	stileid.u32  }
0x5: {  	s28 =	simm.s32 $0x2;
	s29 =	simm.s32 $0x4;
	[smem:$0x7FF] =	sst s5  }
0x6: {  	s3 =	sand.u32 $0x1, s3;
	s4 =	sshll.u32 s1, $0x1;
	s1 =	simm.s32 $0x5  }
0x7: {  	_ =	strace $0x80000047;
	s4 =	sor.u32 s3, s4;
	s3 =	ssub.s32 $0x2, s3  }
0x8: {  	s6 =	sshll.u32 s4, $0x8;
	s7 =	sshll.u32 s4, $0x4;
	s19 =	sshrl.u32 s3, $0x1  }
0x9: {  	p0 =	slt.u32 s4, $0x15;
	s8 =	sadd.s32 s6, s0;
	s0 =	sadd.s32 s7, s0  }
0xa: {  	s3 =	ssub.s32 s3, s19;
	s6 =	sshll.u32 s4, $0x9;
	s4 =	sshll.u32 s4, $0x7  }
0xb: {  	s7 =	simm.s32 $0x62;
	s9 =	sor.u32 $0x4000, s6;
	s20 =	sadd.s32 s30, s4  }
0xc: {  	s7 =	simm.s32 @!p0 $0x61;
	s22 =	sadd.s32 s23, s6;
	[dreg:$0x5] =	wrdreg s20  }
0xd: {  	s26 =	sadd.s32 $0xC00, s8;
	s0 =	sadd.s32 $0x2C00, s0;
	[dreg:$0x6] =	wrdreg s22  }
.Ltmp0:
0xe: {  	s31 =	smax.u32 s3, $0x1;
	[dreg:$0x9] =	wrdreg s26;
	(pc) =	sbr.rel .LBB2_1-.Ltmp0, $4  }
0xf: {  	s3 =	simm.s32 $0x0;
	s21 =	sshrl.u32 s9, $0x2;
	[dreg:$0xa] =	wrdreg s0  }
0x10: {  	s25 =	sadd.s32 s23, s9;
	s12 =	sadd.s32 $0xFFFFFFFF, s7;
	[dreg:$0xb] =	wrdreg s31  }
0x11: {  	s26 =	simm.s32 $0x10B80;
	s24 =	sadd.s32 s30, s21;
	[dreg:$0x8] =	wrdreg s25  }
0x12: {  	v0 =	vimm.f32 $0.0e+00;
	v1 =	vimm.f32 $1.000000000e+00;
	s25 =	simm.s32 $0x11380;
	[dreg:$0x7] =	wrdreg s24;
	s24 =	simm.s32 $0x3  }
.LBB2_13:
0x13: {  	s0 =	rddreg [dreg:$0x9];
	s1 =	simm.s32 $0x5  }
0x14: {  	[hbm4b:s0+s5] =	stream.linear.scatter [tilespmem:s26], [sflag:$0x5], $0x800, $0x38;
	[tilespmem:$0x11400] =	vst v63  }
0x15: {  	_ =	swait.ge [sflag:s1], $0x800  }
0x16: {  	[sflag:s1] =	ssyncset.done $0x0  }
0x17: {  	s22 =	rddreg [dreg:$0xa];
	[sflag:s1] =	ssyncadd.s32 $0xFFFFF800  }
0x18: {  	[hbm4b:s22+s5] =	stream.linear.scatter [tilespmem:s25], [sflag:$0x5], $0x80, $0x38;
	[tilespmem:$0x11400] =	vst v63  }
0x19: {  	_ =	swait.ge [sflag:s1], $0x80  }
0x1a: {  	s3 =	rddreg [dreg:$0xc]  }
0x1b: {  	s31 =	rddreg [dreg:$0xb];
	s3 =	sadd.s32 $0x1, s3  }
0x1c: {  	p0 =	sne.s32 s3, s31  }
.Ltmp1:
0x1d: {  	_ = 	snop;
	(pc) =	sbr.rel @!p0 .LBB2_14-.Ltmp1, $3  }
0x1e: {  	_ =	sdelay $0x1  }
0x1f: {  	[sflag:s1] =	ssyncset.done $0x0  }
0x20: {  	[sflag:s1] =	ssyncadd.s32 $0xFFFFFF80  }
.LBB2_1:
0x21: {  	[dreg:$0xc] =	wrdreg s3  }
0x22: {  	s0 =	rddreg [dreg:$0x2]  }
0x23: {  	[tilespmem:s5], [sflag:$0x5] =	stream.linear.gather [hbm4b:s0+s5], $0xC380, $0x38;
	[tilespmem:$0x11400] =	vst v63  }
0x24: {  	_ =	swait.ge [sflag:s1], $0xC380  }
0x25: {  	[sflag:s1] =	ssyncset.done $0x0  }
0x26: {  	s3 =	simm.s32 $0x200;
	s0 =	simm.s32 $0x0;
	[sflag:s1] =	ssyncadd.s32 $0xFFFF3C80  }
.LBB2_2:
0x27: {  	p0 =	sne.s32 s3, $0x1E00;
	[tilespmem:s0+$0x10BF0] =	vst v0  }
0x28: {  	[tilespmem:s0+$0x10B80] =	vst v0  }
0x29: {  	[tilespmem:s0+$0x10B90] =	vst v0  }
.Ltmp2:
0x2a: {  	[tilespmem:s0+$0x10BA0] =	vst v0;
	(pc) =	sbr.rel @p0 .LBB2_2-.Ltmp2, $4  }
0x2b: {  	[tilespmem:s0+$0x10BB0] =	vst v0  }
0x2c: {  	[tilespmem:s0+$0x10BC0] =	vst v0  }
0x2d: {  	[tilespmem:s0+$0x10BD0] =	vst v0  }
0x2e: {  	[tilespmem:s0+$0x10BE0] =	vst v0;
	s0 =	sshra.s32 s3, $0x2;
	s3 =	sadd.s32 $0x200, s3  }
0x2f: {  	[tilespmem:s0+$0x10BF0] =	vst v0  }
0x30: {  	[tilespmem:s0+$0x10B80] =	vst v0  }
0x31: {  	[tilespmem:s0+$0x10B90] =	vst v0  }
0x32: {  	[tilespmem:s0+$0x10BA0] =	vst v0  }
0x33: {  	[tilespmem:s0+$0x10BB0] =	vst v0  }
0x34: {  	[tilespmem:s0+$0x10BC0] =	vst v0  }
0x35: {  	[tilespmem:s0+$0x10BD0] =	vst v0  }
0x36: {  	[tilespmem:s0+$0x10BE0] =	vst v0  }
0x37: {  	[tilespmem:$0x11380] =	vst v0  }
0x38: {  	[tilespmem:$0x11390] =	vst v0  }
0x39: {  	[tilespmem:$0x113A0] =	vst v0  }
0x3a: {  	[tilespmem:$0x113B0] =	vst v0  }
0x3b: {  	[tilespmem:$0x113C0] =	vst v0  }
0x3c: {  	[tilespmem:$0x113D0] =	vst v0  }
0x3d: {  	s16 =	rddreg [dreg:$0x5];
	[tilespmem:$0x113E0] =	vst v0  }
0x3e: {  	s31 =	simm.s32 $0x0;
	s1 =	simm.s32 $0xC380;
	s17 =	rddreg [dreg:$0x6];
	[tilespmem:$0x113F0] =	vst v0  }
0x3f: {  	[tilespmem:s1], [sflag:$0x1] =	stream.linear.gather [hbm4b:s16+s31], $0x400, $0x38;
	[tilespmem:$0x11400] =	vst v63  }
0x40: {  	s18 =	simm.s32 $0x1000;
	s3 =	simm.s32 $0xC35000;
	s4 =	simm.s32 $0xCB80  }
0x41: {  	[tilespmem:s4], [sflag:$0x3] =	stream.strided.gather [hbm4b:s17+s18], $0x2000, s3, s18, $0x38;
	[tilespmem:$0x11400] =	vst v63  }
.Ltmp3:
0x42: {  	_ = 	snop;
	(pc) =	sbr.rel .LBB2_4-.Ltmp3, $4  }
0x43: {  	s19 =	rddreg [dreg:$0x7];
	s20 =	simm.s32 $0xC780  }
0x44: {  	[tilespmem:s20], [sflag:$0x2] =	stream.linear.gather [hbm4b:s19+s31], $0x400, $0x38;
	[tilespmem:$0x11400] =	vst v63  }
0x45: {  	s21 =	rddreg [dreg:$0x8];
	s22 =	simm.s32 $0xEB80  }
0x46: {  	[tilespmem:s22], [sflag:$0x4] =	stream.strided.gather [hbm4b:s21+s18], $0x2000, s3, s18, $0x38;
	[tilespmem:$0x11400] =	vst v63  }
.LBB2_12:
0x47: {  	s31 =	sadd.s32 $0x1, s31  }
0x48: {  	p0 =	sne.s32 s31, $0x31  }
.Ltmp4:
0x49: {  	_ = 	snop;
	(pc) =	sbr.rel @!p0 .LBB2_13-.Ltmp4, $1  }
0x4a: {  	_ =	sdelay $0x3  }
.LBB2_4:
0x4b: {  	s0 =	sshll.u32 s31, $0x1  }
0x4c: {  	p0 =	sge.u32 s0, s7  }
.Ltmp5:
0x4d: {  	_ = 	snop;
	(pc) =	sbr.rel @p0 .LBB2_8-.Ltmp5, $1  }
0x4e: {  	_ =	sdelay $0x3  }
0x4f: {  	s1 =	simm.s32 $0x1  }
0x50: {  	_ =	swait.ge [sflag:s1], $0x400  }
0x51: {  	s3 =	simm.s32 $0x0;
	[sflag:s1] =	ssyncset.done $0x0  }
0x52: {  	s8 =	sand.u32 $0xC00, s3;
	[sflag:s1] =	ssyncadd.s32 $0xFFFFFC00  }
0x53: {  	s18 =	sand.u32 $0x60, s3;
	s19 =	sshrl.u32 s8, $0x2;
	_ =	swait.ge [sflag:s24], $0x2000  }
0x54: {  	s9 =	sor.u32 $0x10, s18;
	s3 =	sadd.s32 $0xC380, s19;
	[sflag:s24] =	ssyncset.done $0x0  }
0x55: {  	s4 =	sor.u32 s9, s3;
	[sflag:s24] =	ssyncadd.s32 $0xFFFFE000  }
0x56: {  	v2 =	vld [tilespmem:s4+$0x0];
	_ =	sdelay $0x7  }
0x57: {  	v4 =	vld.idx.msk [tilespmem:v2+s5+$0x0], $0xffff  }
0x58: {  	s3 =	sor.u32 s18, s3  }
0x59: {  	v2 =	vld [tilespmem:s3+$0x0];
	_ =	sdelay $0x4  }
0x5a: {  	s20 =	sadd.s32 $0xCB80, s8  }
0x5b: {  	s21 =	sor.u32 s9, s20;
	[tilespmem:v4+s25+$0x0] =	vst.idx.add.f32.msk $0xffff, v1  }
0x5c: {  	v5 =	vld [tilespmem:s21+$0x0]  }
0x5d: {  	v3 =	vld.idx.msk [tilespmem:v2+s5+$0x0], $0xffff;
	_ =	sdelay $0x3  }
0x5e: {  	[tilespmem:v4+s26+$0x0] =	vst.idx.add.f32.msk $0xffff, v5  }
0x5f: {  	v5 =	vadd.s32 $0x80, v4;
	v2 =	vld [tilespmem:s21+$0x80];
	_ =	sdelay $0x2  }
0x60: {  	s10 =	sor.u32 s18, s20;
	[tilespmem:v3+s25+$0x0] =	vst.idx.add.f32.msk $0xffff, v1  }
0x61: {  	v6 =	vld [tilespmem:s10+$0x0]  }
0x62: {  	[tilespmem:v5+s26+$0x0] =	vst.idx.add.f32.msk $0xffff, v2  }
0x63: {  	v5 =	vadd.s32 $0x100, v4;
	v2 =	vld [tilespmem:s21+$0x100];
	_ =	sdelay $0x2  }
0x64: {  	[tilespmem:v3+s26+$0x0] =	vst.idx.add.f32.msk $0xffff, v6  }
0x65: {  	v6 =	vadd.s32 $0x80, v3;
	v7 =	vld [tilespmem:s10+$0x80]  }
0x66: {  	[tilespmem:v5+s26+$0x0] =	vst.idx.add.f32.msk $0xffff, v2  }
0x67: {  	v5 =	vadd.s32 $0x180, v4;
	v2 =	vld [tilespmem:s21+$0x180];
	_ =	sdelay $0x2  }
0x68: {  	[tilespmem:v6+s26+$0x0] =	vst.idx.add.f32.msk $0xffff, v7  }
0x69: {  	v6 =	vadd.s32 $0x100, v3;
	v7 =	vld [tilespmem:s10+$0x100]  }
0x6a: {  	[tilespmem:v5+s26+$0x0] =	vst.idx.add.f32.msk $0xffff, v2  }
0x6b: {  	v5 =	vadd.s32 $0x200, v4;
	v2 =	vld [tilespmem:s21+$0x200];
	_ =	sdelay $0x2  }
0x6c: {  	[tilespmem:v6+s26+$0x0] =	vst.idx.add.f32.msk $0xffff, v7  }
0x6d: {  	v6 =	vadd.s32 $0x180, v3;
	v7 =	vld [tilespmem:s10+$0x180]  }
0x6e: {  	[tilespmem:v5+s26+$0x0] =	vst.idx.add.f32.msk $0xffff, v2  }
0x6f: {  	v5 =	vadd.s32 $0x280, v4;
	v2 =	vld [tilespmem:s21+$0x280];
	_ =	sdelay $0x2  }
0x70: {  	[tilespmem:v6+s26+$0x0] =	vst.idx.add.f32.msk $0xffff, v7  }
0x71: {  	v6 =	vadd.s32 $0x200, v3;
	v7 =	vld [tilespmem:s10+$0x200]  }
0x72: {  	[tilespmem:v5+s26+$0x0] =	vst.idx.add.f32.msk $0xffff, v2  }
0x73: {  	v5 =	vadd.s32 $0x300, v4;
	v2 =	vld [tilespmem:s21+$0x300];
	_ =	sdelay $0x2  }
0x74: {  	[tilespmem:v6+s26+$0x0] =	vst.idx.add.f32.msk $0xffff, v7  }
0x75: {  	v6 =	vadd.s32 $0x280, v3;
	v7 =	vld [tilespmem:s10+$0x280]  }
0x76: {  	[tilespmem:v5+s26+$0x0] =	vst.idx.add.f32.msk $0xffff, v2  }
0x77: {  	v5 =	vadd.s32 $0x380, v4;
	v2 =	vld [tilespmem:s21+$0x380];
	_ =	sdelay $0x2  }
0x78: {  	s2 =	smov.u32 s30;
	s30 =	simm.s32 $0x100;
	[tilespmem:v6+s26+$0x0] =	vst.idx.add.f32.msk $0xffff, v7  }
0x79: {  	s13 =	sadd.s32 $0xDB80, s8;
	s20 =	simm.s32 $0x20;
	s3 =	sand.u32 $0xC00, s30;
	v6 =	vadd.s32 $0x300, v3;
	v7 =	vld [tilespmem:s10+$0x300]  }
0x7a: {  	s22 =	sor.u32 s9, s13;
	s4 =	sand.u32 $0x60, s20;
	s11 =	sshrl.u32 s3, $0x2;
	[tilespmem:v5+s26+$0x0] =	vst.idx.add.f32.msk $0xffff, v2  }
0x7b: {  	s17 =	sor.u32 $0x10, s4;
	s11 =	sadd.s32 $0xC380, s11;
	v5 =	vadd.s32 $0x400, v4;
	v2 =	vld [tilespmem:s22+$0x0]  }
0x7c: {  	s14 =	sor.u32 s17, s11  }
0x7d: {  	v8 =	vld [tilespmem:s14+$0x0]  }
0x7e: {  	[tilespmem:v6+s26+$0x0] =	vst.idx.add.f32.msk $0xffff, v7  }
0x7f: {  	s19 =	sadd.s32 $0xDC00, s8;
	v9 =	vld [tilespmem:s10+$0x380]  }
0x80: {  	s1 =	sor.u32 s9, s19;
	v7 =	vadd.s32 $0x380, v3;
	[tilespmem:v5+s26+$0x0] =	vst.idx.add.f32.msk $0xffff, v2  }
0x81: {  	s11 =	sor.u32 s4, s11;
	v5 =	vadd.s32 $0x480, v4;
	v2 =	vld [tilespmem:s1+$0x0]  }
0x82: {  	v6 =	vld [tilespmem:s11+$0x0];
	_ =	sdelay $0x2  }
0x83: {  	[tilespmem:v7+s26+$0x0] =	vst.idx.add.f32.msk $0xffff, v9  }
0x84: {  	[tilespmem:v5+s26+$0x0] =	vst.idx.add.f32.msk $0xffff, v2  }
0x85: {  	s16 =	sor.u32 s18, s13;
	s11 =	sadd.s32 $0xDC80, s8;
	v2 =	vld.idx.msk [tilespmem:v8+s5+$0x0], $0xffff  }
0x86: {  	s15 =	sor.u32 s9, s11;
	v7 =	vadd.s32 $0x400, v3;
	v8 =	vld [tilespmem:s16+$0x0]  }
0x87: {  	v10 =	vadd.s32 $0x500, v4;
	v5 =	vld [tilespmem:s15+$0x0]  }
0x88: {  	v18 =	vld.idx.msk [tilespmem:v6+s5+$0x0], $0xffff;
	_ =	sdelay $0x2  }
0x89: {  	s14 =	sadd.s32 $0xDD00, s8;
	[tilespmem:v7+s26+$0x0] =	vst.idx.add.f32.msk $0xffff, v8  }
0x8a: {  	s21 =	sor.u32 s9, s14;
	[tilespmem:v10+s26+$0x0] =	vst.idx.add.f32.msk $0xffff, v5  }
0x8b: {  	s22 =	sadd.s32 $0xCB80, s3;
	v6 =	vadd.s32 $0x580, v4;
	v5 =	vld [tilespmem:s21+$0x0]  }
0x8c: {  	s15 =	sor.u32 s17, s22;
	[tilespmem:v2+s25+$0x0] =	vst.idx.add.f32.msk $0xffff, v1  }
0x8d: {  	v7 =	vld [tilespmem:s15+$0x0]  }
0x8e: {  	s10 =	sor.u32 s4, s22;
	[tilespmem:v18+s25+$0x0] =	vst.idx.add.f32.msk $0xffff, v1  }
0x8f: {  	s13 =	sadd.s32 $0xDD80, s8;
	v8 =	vld [tilespmem:s10+$0x0]  }
0x90: {  	s16 =	sor.u32 s9, s13;
	[tilespmem:v6+s26+$0x0] =	vst.idx.add.f32.msk $0xffff, v5  }
0x91: {  	v6 =	vadd.s32 $0x600, v4;
	v5 =	vld [tilespmem:s16+$0x0]  }
0x92: {  	[tilespmem:v2+s26+$0x0] =	vst.idx.add.f32.msk $0xffff, v7  }
0x93: {  	v9 =	vadd.s32 $0x80, v2;
	v7 =	vld [tilespmem:s15+$0x80]  }
0x94: {  	[tilespmem:v18+s26+$0x0] =	vst.idx.add.f32.msk $0xffff, v8  }
0x95: {  	v8 =	vadd.s32 $0x80, v18;
	s16 =	sadd.s32 $0xDE00, s8;
	v10 =	vld [tilespmem:s10+$0x80]  }
0x96: {  	s21 =	sor.u32 s9, s16;
	[tilespmem:v6+s26+$0x0] =	vst.idx.add.f32.msk $0xffff, v5  }
0x97: {  	v6 =	vadd.s32 $0x680, v4;
	v5 =	vld [tilespmem:s21+$0x0]  }
0x98: {  	[tilespmem:v9+s26+$0x0] =	vst.idx.add.f32.msk $0xffff, v7  }
0x99: {  	v9 =	vadd.s32 $0x100, v2;
	v7 =	vld [tilespmem:s15+$0x100]  }
0x9a: {  	[tilespmem:v8+s26+$0x0] =	vst.idx.add.f32.msk $0xffff, v10  }
0x9b: {  	s22 =	sadd.s32 $0xDE80, s8;
	v8 =	vadd.s32 $0x100, v18;
	v10 =	vld [tilespmem:s10+$0x100]  }
0x9c: {  	s30 =	sor.u32 s9, s22;
	[tilespmem:v6+s26+$0x0] =	vst.idx.add.f32.msk $0xffff, v5  }
0x9d: {  	v6 =	vadd.s32 $0x700, v4;
	v5 =	vld [tilespmem:s30+$0x0]  }
0x9e: {  	[tilespmem:v9+s26+$0x0] =	vst.idx.add.f32.msk $0xffff, v7  }
0x9f: {  	v9 =	vadd.s32 $0x180, v2;
	v7 =	vld [tilespmem:s15+$0x180]  }
0xa0: {  	[tilespmem:v8+s26+$0x0] =	vst.idx.add.f32.msk $0xffff, v10  }
0xa1: {  	s1 =	sadd.s32 $0xDF00, s8;
	v8 =	vld [tilespmem:s10+$0x180]  }
0xa2: {  	s8 =	sor.u32 s9, s1;
	[tilespmem:v6+s26+$0x0] =	vst.idx.add.f32.msk $0xffff, v5;
	v6 =	vadd.s32 $0x180, v18  }
0xa3: {  	v4 =	vadd.s32 $0x780, v4;
	v5 =	vld [tilespmem:s8+$0x0]  }
0xa4: {  	[tilespmem:v9+s26+$0x0] =	vst.idx.add.f32.msk $0xffff, v7  }
0xa5: {  	s9 =	sor.u32 s18, s19;
	v9 =	vadd.s32 $0x200, v2;
	v7 =	vld [tilespmem:s15+$0x200]  }
0xa6: {  	v10 =	vld [tilespmem:s9+$0x0]  }
0xa7: {  	v11 =	vadd.s32 $0x480, v3;
	[tilespmem:v6+s26+$0x0] =	vst.idx.add.f32.msk $0xffff, v8  }
0xa8: {  	[tilespmem:v4+s26+$0x0] =	vst.idx.add.f32.msk $0xffff, v5  }
0xa9: {  	v4 =	vadd.s32 $0x200, v18;
	v5 =	vld [tilespmem:s10+$0x200]  }
0xaa: {  	[tilespmem:v9+s26+$0x0] =	vst.idx.add.f32.msk $0xffff, v7  }
0xab: {  	v7 =	vadd.s32 $0x280, v2;
	v6 =	vld [tilespmem:s15+$0x280]  }
0xac: {  	s11 =	sor.u32 s18, s11;
	[tilespmem:v11+s26+$0x0] =	vst.idx.add.f32.msk $0xffff, v10  }
0xad: {  	v8 =	vadd.s32 $0x500, v3;
	v9 =	vld [tilespmem:s11+$0x0]  }
0xae: {  	[tilespmem:v4+s26+$0x0] =	vst.idx.add.f32.msk $0xffff, v5  }
0xaf: {  	v4 =	vadd.s32 $0x280, v18;
	v5 =	vld [tilespmem:s10+$0x280]  }
0xb0: {  	[tilespmem:v7+s26+$0x0] =	vst.idx.add.f32.msk $0xffff, v6  }
0xb1: {  	v7 =	vadd.s32 $0x300, v2;
	v6 =	vld [tilespmem:s15+$0x300]  }
0xb2: {  	s19 =	sor.u32 s18, s14;
	[tilespmem:v8+s26+$0x0] =	vst.idx.add.f32.msk $0xffff, v9  }
0xb3: {  	v8 =	vadd.s32 $0x580, v3;
	v9 =	vld [tilespmem:s19+$0x0]  }
0xb4: {  	[tilespmem:v4+s26+$0x0] =	vst.idx.add.f32.msk $0xffff, v5  }
0xb5: {  	v5 =	vadd.s32 $0x300, v18;
	v10 =	vld [tilespmem:s10+$0x300]  }
0xb6: {  	[tilespmem:v7+s26+$0x0] =	vst.idx.add.f32.msk $0xffff, v6  }
0xb7: {  	v20 =	vadd.s32 $0x380, v2;
	v19 =	vld [tilespmem:s15+$0x380]  }
0xb8: {  	v15 =	vadd.s32 $0x380, v18;
	s21 =	sor.u32 s18, s13;
	[tilespmem:v8+s26+$0x0] =	vst.idx.add.f32.msk $0xffff, v9  }
0xb9: {  	v13 =	vadd.s32 $0x400, v18;
	v14 =	vadd.s32 $0x600, v18;
	s30 =	sadd.s32 $0xDB80, s3;
	v7 =	vadd.s32 $0x600, v3;
	v17 =	vld [tilespmem:s21+$0x0]  }
0xba: {  	v12 =	vadd.s32 $0x680, v18;
	s9 =	sor.u32 s4, s30;
	v11 =	vadd.s32 $0x480, v18;
	v4 =	vadd.s32 $0x700, v3;
	[tilespmem:v5+s26+$0x0] =	vst.idx.add.f32.msk $0xffff, v10  }
0xbb: {  	s8 =	sor.u32 s18, s22;
	s22 =	sor.u32 s18, s1;
	s19 =	sor.u32 s18, s16;
	v9 =	vadd.s32 $0x500, v18;
	v8 =	vadd.s32 $0x580, v18;
	v6 =	vadd.s32 $0x680, v3;
	v16 =	vld [tilespmem:s10+$0x380]  }
0xbc: {  	s18 =	simm.s32 $0x200;
	v3 =	vadd.s32 $0x780, v3;
	s21 =	simm.s32 $0x2;
	v10 =	vadd.s32 $0x700, v18;
	v5 =	vadd.s32 $0x780, v18;
	s10 =	sor.u32 s17, s30;
	[tilespmem:v20+s26+$0x0] =	vst.idx.add.f32.msk $0xffff, v19  }
.LBB2_6:
0xbd: {  	s11 =	sand.u32 $0xC00, s18;
	v18 =	vld [tilespmem:s10+$0x0];
	v19 =	vadd.s32 $0x400, v2;
	s20 =	sadd.s32 $0x20, s20  }
0xbe: {  	s21 =	sadd.s32 $0x2, s21;
	s10 =	sand.u32 $0x60, s20;
	s13 =	sshrl.u32 s11, $0x2;
	[tilespmem:v7+s26+$0x0] =	vst.idx.add.f32.msk $0xffff, v17;
	v7 =	vmov v14  }
0xbf: {  	p0 =	slt.u32 s21, $0x1E;
	s14 =	sadd.s32 $0xC380, s13;
	s13 =	sor.u32 $0x10, s10;
	v14 =	vld [tilespmem:s19+$0x0]  }
0xc0: {  	s15 =	sor.u32 s10, s14;
	s14 =	sor.u32 s13, s14;
	[tilespmem:v15+s26+$0x0] =	vst.idx.add.f32.msk $0xffff, v16  }
0xc1: {  	v15 =	vld [tilespmem:s14+$0x0];
	s14 =	sadd.s32 $0xDC00, s3  }
0xc2: {  	s16 =	sor.u32 s4, s14;
	[tilespmem:v19+s26+$0x0] =	vst.idx.add.f32.msk $0xffff, v18;
	s14 =	sor.u32 s17, s14  }
0xc3: {  	v17 =	vadd.s32 $0x480, v2;
	v16 =	vld [tilespmem:s14+$0x0]  }
0xc4: {  	v18 =	vld [tilespmem:s15+$0x0]  }
0xc5: {  	v19 =	vld [tilespmem:s9+$0x0]  }
0xc6: {  	[tilespmem:v6+s26+$0x0] =	vst.idx.add.f32.msk $0xffff, v14;
	v6 =	vmov v12  }
0xc7: {  	s9 =	sadd.s32 $0xDC80, s3;
	v12 =	vld [tilespmem:s8+$0x0]  }
0xc8: {  	s15 =	sor.u32 s4, s9;
	s8 =	sor.u32 s17, s9;
	[tilespmem:v17+s26+$0x0] =	vst.idx.add.f32.msk $0xffff, v16  }
0xc9: {  	v16 =	vadd.s32 $0x500, v2;
	v14 =	vld [tilespmem:s8+$0x0]  }
0xca: {  	v17 =	vld.idx.msk [tilespmem:v15+s5+$0x0], $0xffff  }
0xcb: {  	[tilespmem:v13+s26+$0x0] =	vst.idx.add.f32.msk $0xffff, v19  }
0xcc: {  	v18 =	vld.idx.msk [tilespmem:v18+s5+$0x0], $0xffff  }
0xcd: {  	s8 =	sadd.s32 $0xDD00, s3;
	v19 =	vld [tilespmem:s16+$0x0]  }
0xce: {  	s14 =	sor.u32 s4, s8;
	s8 =	sor.u32 s17, s8;
	[tilespmem:v16+s26+$0x0] =	vst.idx.add.f32.msk $0xffff, v14  }
0xcf: {  	v20 =	vadd.s32 $0x580, v2;
	v14 =	vld [tilespmem:s8+$0x0]  }
0xd0: {  	[tilespmem:v4+s26+$0x0] =	vst.idx.add.f32.msk $0xffff, v12;
	v4 =	vmov v10  }
0xd1: {  	s8 =	sadd.s32 $0xCB80, s11;
	v21 =	vld [tilespmem:s22+$0x0]  }
0xd2: {  	s9 =	sor.u32 s10, s8;
	s16 =	sor.u32 s13, s8;
	v22 =	vadd.s32 $0x80, v18;
	v23 =	vadd.s32 $0x100, v18;
	v24 =	vadd.s32 $0x180, v18;
	[tilespmem:v17+s25+$0x0] =	vst.idx.add.f32.msk $0xffff, v1  }
0xd3: {  	s8 =	sadd.s32 $0xDD80, s3;
	v25 =	vadd.s32 $0x200, v18;
	v26 =	vadd.s32 $0x280, v18;
	v16 =	vadd.s32 $0x300, v18;
	v27 =	vld [tilespmem:s16+$0x0]  }
0xd4: {  	v15 =	vadd.s32 $0x380, v18;
	v13 =	vadd.s32 $0x400, v18;
	v28 =	vadd.s32 $0x480, v18;
	s30 =	sor.u32 s4, s8;
	s8 =	sor.u32 s17, s8;
	[tilespmem:v20+s26+$0x0] =	vst.idx.add.f32.msk $0xffff, v14  }
0xd5: {  	v31 =	vadd.s32 $0x600, v2;
	v29 =	vadd.s32 $0x580, v18;
	v20 =	vadd.s32 $0x500, v18;
	v30 =	vld [tilespmem:s8+$0x0]  }
0xd6: {  	v12 =	vadd.s32 $0x680, v18;
	v10 =	vadd.s32 $0x700, v18;
	v14 =	vadd.s32 $0x600, v18;
	[tilespmem:v18+s25+$0x0] =	vst.idx.add.f32.msk $0xffff, v1  }
0xd7: {  	v33 =	vadd.s32 $0x780, v18;
	v32 =	vld [tilespmem:s9+$0x0]  }
0xd8: {  	[tilespmem:v17+s26+$0x0] =	vst.idx.add.f32.msk $0xffff, v27  }
0xd9: {  	v34 =	vadd.s32 $0x80, v17;
	s8 =	sadd.s32 $0xDE00, s3;
	v27 =	vld [tilespmem:s16+$0x80]  }
0xda: {  	s19 =	sor.u32 s4, s8;
	s8 =	sor.u32 s17, s8;
	[tilespmem:v31+s26+$0x0] =	vst.idx.add.f32.msk $0xffff, v30  }
0xdb: {  	v31 =	vadd.s32 $0x680, v2;
	v30 =	vld [tilespmem:s8+$0x0]  }
0xdc: {  	[tilespmem:v18+s26+$0x0] =	vst.idx.add.f32.msk $0xffff, v32  }
0xdd: {  	v18 =	vld [tilespmem:s9+$0x80]  }
0xde: {  	[tilespmem:v34+s26+$0x0] =	vst.idx.add.f32.msk $0xffff, v27  }
0xdf: {  	s22 =	sadd.s32 $0xDE80, s3;
	v32 =	vadd.s32 $0x100, v17;
	v27 =	vld [tilespmem:s16+$0x100]  }
0xe0: {  	s8 =	sor.u32 s4, s22;
	s22 =	sor.u32 s17, s22;
	[tilespmem:v31+s26+$0x0] =	vst.idx.add.f32.msk $0xffff, v30  }
0xe1: {  	v31 =	vadd.s32 $0x700, v2;
	v30 =	vld [tilespmem:s22+$0x0]  }
0xe2: {  	[tilespmem:v22+s26+$0x0] =	vst.idx.add.f32.msk $0xffff, v18  }
0xe3: {  	v18 =	vld [tilespmem:s9+$0x100]  }
0xe4: {  	[tilespmem:v32+s26+$0x0] =	vst.idx.add.f32.msk $0xffff, v27  }
0xe5: {  	s1 =	sadd.s32 $0xDF00, s3;
	s3 =	smov.u32 s11;
	v27 =	vadd.s32 $0x180, v17;
	v22 =	vld [tilespmem:s16+$0x180]  }
0xe6: {  	s22 =	sor.u32 s4, s1;
	s1 =	sor.u32 s17, s1;
	s4 =	smov.u32 s10;
	[tilespmem:v31+s26+$0x0] =	vst.idx.add.f32.msk $0xffff, v30  }
0xe7: {  	s17 =	smov.u32 s13;
	v31 =	vadd.s32 $0x780, v2;
	v2 =	vmov v17;
	v30 =	vld [tilespmem:s1+$0x0]  }
0xe8: {  	[tilespmem:v23+s26+$0x0] =	vst.idx.add.f32.msk $0xffff, v18  }
0xe9: {  	v17 =	vld [tilespmem:s9+$0x180]  }
0xea: {  	[tilespmem:v27+s26+$0x0] =	vst.idx.add.f32.msk $0xffff, v22  }
0xeb: {  	v22 =	vadd.s32 $0x200, v2;
	v18 =	vld [tilespmem:s16+$0x200]  }
0xec: {  	[tilespmem:v31+s26+$0x0] =	vst.idx.add.f32.msk $0xffff, v30  }
0xed: {  	[tilespmem:v11+s26+$0x0] =	vst.idx.add.f32.msk $0xffff, v19;
	v11 =	vmov v28  }
0xee: {  	[tilespmem:v24+s26+$0x0] =	vst.idx.add.f32.msk $0xffff, v17  }
0xef: {  	v17 =	vld [tilespmem:s9+$0x200]  }
0xf0: {  	[tilespmem:v22+s26+$0x0] =	vst.idx.add.f32.msk $0xffff, v18  }
0xf1: {  	v19 =	vadd.s32 $0x280, v2;
	v18 =	vld [tilespmem:s16+$0x280]  }
0xf2: {  	v22 =	vld [tilespmem:s15+$0x0]  }
0xf3: {  	[tilespmem:v3+s26+$0x0] =	vst.idx.add.f32.msk $0xffff, v21;
	v3 =	vmov v5;
	v5 =	vmov v33  }
0xf4: {  	[tilespmem:v25+s26+$0x0] =	vst.idx.add.f32.msk $0xffff, v17  }
0xf5: {  	v17 =	vld [tilespmem:s9+$0x280]  }
0xf6: {  	[tilespmem:v19+s26+$0x0] =	vst.idx.add.f32.msk $0xffff, v18  }
0xf7: {  	v19 =	vadd.s32 $0x300, v2;
	v18 =	vld [tilespmem:s16+$0x300]  }
0xf8: {  	[tilespmem:v9+s26+$0x0] =	vst.idx.add.f32.msk $0xffff, v22;
	v9 =	vmov v20  }
0xf9: {  	v20 =	vld [tilespmem:s14+$0x0]  }
0xfa: {  	[tilespmem:v26+s26+$0x0] =	vst.idx.add.f32.msk $0xffff, v17  }
0xfb: {  	v21 =	vld [tilespmem:s9+$0x300]  }
0xfc: {  	[tilespmem:v19+s26+$0x0] =	vst.idx.add.f32.msk $0xffff, v18  }
0xfd: {  	v19 =	vadd.s32 $0x380, v2;
	v18 =	vld [tilespmem:s16+$0x380]  }
.Ltmp6:
0xfe: {  	[tilespmem:v8+s26+$0x0] =	vst.idx.add.f32.msk $0xffff, v20;
	v8 =	vmov v29;
	(pc) =	sbr.rel @p0 .LBB2_6-.Ltmp6, $4  }
0xff: {  	v17 =	vld [tilespmem:s30+$0x0]  }
0x100: {  	[tilespmem:v16+s26+$0x0] =	vst.idx.add.f32.msk $0xffff, v21  }
0x101: {  	s1 =	sadd.s32 $0xDB80, s3;
	v16 =	vld [tilespmem:s9+$0x380]  }
0x102: {  	s18 =	sadd.s32 $0x100, s18;
	s10 =	sor.u32 s17, s1;
	s9 =	sor.u32 s4, s1;
	[tilespmem:v19+s26+$0x0] =	vst.idx.add.f32.msk $0xffff, v18  }
0x103: {  	_ =	sdelay $0x2  }
0x104: {  	v18 =	vld [tilespmem:s10+$0x0];
	v19 =	vadd.s32 $0x400, v2  }
0x105: {  	[tilespmem:v15+s26+$0x0] =	vst.idx.add.f32.msk $0xffff, v16  }
0x106: {  	v15 =	vld [tilespmem:s9+$0x0];
	_ =	sdelay $0x1  }
0x107: {  	s1 =	sadd.s32 $0xDC00, s3  }
0x108: {  	s21 =	sor.u32 s17, s1;
	[tilespmem:v19+s26+$0x0] =	vst.idx.add.f32.msk $0xffff, v18  }
0x109: {  	v51 =	vadd.s32 $0x480, v2;
	v50 =	vld [tilespmem:s21+$0x0]  }
0x10a: {  	s1 =	sor.u32 s4, s1;
	[tilespmem:v13+s26+$0x0] =	vst.idx.add.f32.msk $0xffff, v15  }
0x10b: {  	v13 =	vld [tilespmem:s1+$0x0];
	_ =	sdelay $0x1  }
0x10c: {  	s10 =	sadd.s32 $0xDC80, s3  }
0x10d: {  	s11 =	sor.u32 s17, s10;
	[tilespmem:v51+s26+$0x0] =	vst.idx.add.f32.msk $0xffff, v50  }
0x10e: {  	v53 =	vadd.s32 $0x500, v2;
	v52 =	vld [tilespmem:s11+$0x0]  }
0x10f: {  	s1 =	sor.u32 s4, s10;
	[tilespmem:v11+s26+$0x0] =	vst.idx.add.f32.msk $0xffff, v13  }
0x110: {  	v11 =	vld [tilespmem:s1+$0x0];
	_ =	sdelay $0x1  }
0x111: {  	s13 =	sadd.s32 $0xDD00, s3  }
0x112: {  	s14 =	sor.u32 s17, s13;
	[tilespmem:v53+s26+$0x0] =	vst.idx.add.f32.msk $0xffff, v52  }
0x113: {  	v55 =	vadd.s32 $0x580, v2;
	v54 =	vld [tilespmem:s14+$0x0]  }
0x114: {  	s1 =	sor.u32 s4, s13;
	[tilespmem:v9+s26+$0x0] =	vst.idx.add.f32.msk $0xffff, v11  }
0x115: {  	v9 =	vld [tilespmem:s1+$0x0];
	_ =	sdelay $0x1  }
0x116: {  	s15 =	sadd.s32 $0xDD80, s3  }
0x117: {  	s16 =	sor.u32 s17, s15;
	[tilespmem:v55+s26+$0x0] =	vst.idx.add.f32.msk $0xffff, v54  }
0x118: {  	v57 =	vadd.s32 $0x600, v2;
	v56 =	vld [tilespmem:s16+$0x0]  }
0x119: {  	s1 =	sor.u32 s4, s15;
	[tilespmem:v8+s26+$0x0] =	vst.idx.add.f32.msk $0xffff, v9  }
0x11a: {  	v8 =	vld [tilespmem:s1+$0x0]  }
0x11b: {  	[tilespmem:v7+s26+$0x0] =	vst.idx.add.f32.msk $0xffff, v17  }
0x11c: {  	s18 =	sadd.s32 $0xDE00, s3;
	v7 =	vld [tilespmem:s19+$0x0]  }
0x11d: {  	s19 =	sor.u32 s17, s18;
	[tilespmem:v57+s26+$0x0] =	vst.idx.add.f32.msk $0xffff, v56  }
0x11e: {  	v59 =	vadd.s32 $0x680, v2;
	v58 =	vld [tilespmem:s19+$0x0]  }
0x11f: {  	s1 =	sor.u32 s4, s18;
	[tilespmem:v14+s26+$0x0] =	vst.idx.add.f32.msk $0xffff, v8  }
0x120: {  	v8 =	vld [tilespmem:s1+$0x0]  }
0x121: {  	[tilespmem:v6+s26+$0x0] =	vst.idx.add.f32.msk $0xffff, v7  }
0x122: {  	s20 =	sadd.s32 $0xDE80, s3;
	v6 =	vld [tilespmem:s8+$0x0]  }
0x123: {  	s21 =	sor.u32 s17, s20;
	[tilespmem:v59+s26+$0x0] =	vst.idx.add.f32.msk $0xffff, v58  }
0x124: {  	v61 =	vadd.s32 $0x700, v2;
	v60 =	vld [tilespmem:s21+$0x0]  }
0x125: {  	s1 =	sor.u32 s4, s20;
	[tilespmem:v12+s26+$0x0] =	vst.idx.add.f32.msk $0xffff, v8  }
0x126: {  	v8 =	vld [tilespmem:s1+$0x0]  }
0x127: {  	[tilespmem:v4+s26+$0x0] =	vst.idx.add.f32.msk $0xffff, v6  }
0x128: {  	v4 =	vld [tilespmem:s22+$0x0];
	s22 =	sadd.s32 $0xDF00, s3  }
0x129: {  	s3 =	sor.u32 s17, s22;
	[tilespmem:v61+s26+$0x0] =	vst.idx.add.f32.msk $0xffff, v60  }
0x12a: {  	v62 =	vld [tilespmem:s3+$0x0]  }
0x12b: {  	v2 =	vadd.s32 $0x780, v2;
	s1 =	sor.u32 s4, s22;
	[tilespmem:v10+s26+$0x0] =	vst.idx.add.f32.msk $0xffff, v8  }
0x12c: {  	v63 =	vld [tilespmem:s1+$0x0];
	s1 =	sadd.s32 $0x2, s0  }
0x12d: {  	p0 =	sge.u32 s1, s7  }
0x12e: {  	s1 =	sshll.u32 @!p0 s1, $0xE  }
0x12f: {  	[tilespmem:v3+s26+$0x0] =	vst.idx.add.f32.msk $0xffff, v4;
	s1 =	sor.u32 @!p0 s6, s1  }
0x130: {  	s30 =	smov.u32 s2;
	[tilespmem:v2+s26+$0x0] =	vst.idx.add.f32.msk $0xffff, v62;
	s4 =	simm.s32 @!p0 $0x0;
	s3 =	sshrl.u32 @!p0 s1, $0x2  }
0x131: {  	s8 =	simm.s32 @!p0 $0xC380;
	s1 =	sadd.s32 @!p0 s23, s1;
	[tilespmem:v5+s26+$0x0] =	vst.idx.add.f32.msk $0xffff, v63;
	s3 =	sadd.s32 @!p0 s2, s3  }
0x132: {  	[tilespmem:s8], [sflag:$0x1] =	stream.linear.gather @!p0 [hbm4b:s3+s4], $0x400, $0x38;
	[tilespmem:$0x11400] =	vst v63  }
0x133: {  	s3 =	simm.s32 @!p0 $0x1000;
	s4 =	simm.s32 @!p0 $0xC35000;
	s8 =	simm.s32 @!p0 $0xCB80  }
0x134: {  	[tilespmem:s8], [sflag:$0x3] =	stream.strided.gather @!p0 [hbm4b:s1+s3], $0x2000, s4, s3, $0x38;
	[tilespmem:$0x11400] =	vst v63  }
.LBB2_8:
0x135: {  	p0 =	sge.u32 s0, s12  }
.Ltmp7:
0x136: {  	_ = 	snop;
	(pc) =	sbr.rel @p0 .LBB2_12-.Ltmp7, $1  }
0x137: {  	_ =	sdelay $0x3  }
0x138: {  	_ =	swait.ge [sflag:s28], $0x400  }
0x139: {  	s1 =	simm.s32 $0x0;
	[sflag:s28] =	ssyncset.done $0x0  }
0x13a: {  	s8 =	sand.u32 $0xC00, s1;
	[sflag:s28] =	ssyncadd.s32 $0xFFFFFC00  }
0x13b: {  	s22 =	sand.u32 $0x60, s1;
	s13 =	sshrl.u32 s8, $0x2;
	_ =	swait.ge [sflag:s29], $0x2000  }
0x13c: {  	s18 =	sor.u32 $0x10, s22;
	s1 =	sadd.s32 $0xC780, s13;
	[sflag:s29] =	ssyncset.done $0x0  }
0x13d: {  	s3 =	sor.u32 s18, s1;
	[sflag:s29] =	ssyncadd.s32 $0xFFFFE000  }
0x13e: {  	v2 =	vld [tilespmem:s3+$0x0];
	_ =	sdelay $0x7  }
0x13f: {  	v4 =	vld.idx.msk [tilespmem:v2+s5+$0x0], $0xffff  }
0x140: {  	s1 =	sor.u32 s22, s1  }
0x141: {  	v2 =	vld [tilespmem:s1+$0x0];
	_ =	sdelay $0x4  }
0x142: {  	s14 =	sadd.s32 $0xEB80, s8  }
0x143: {  	s15 =	sor.u32 s18, s14;
	[tilespmem:v4+s25+$0x0] =	vst.idx.add.f32.msk $0xffff, v1  }
0x144: {  	v5 =	vld [tilespmem:s15+$0x0]  }
0x145: {  	v3 =	vld.idx.msk [tilespmem:v2+s5+$0x0], $0xffff;
	_ =	sdelay $0x2  }
0x146: {  	s16 =	sadd.s32 $0xEC00, s8  }
0x147: {  	s4 =	sor.u32 s18, s16;
	[tilespmem:v4+s26+$0x0] =	vst.idx.add.f32.msk $0xffff, v5  }
0x148: {  	v5 =	vadd.s32 $0x80, v4;
	v2 =	vld [tilespmem:s4+$0x0];
	_ =	sdelay $0x2  }
0x149: {  	s1 =	sor.u32 s22, s14;
	[tilespmem:v3+s25+$0x0] =	vst.idx.add.f32.msk $0xffff, v1  }
0x14a: {  	s17 =	sadd.s32 $0xEC80, s8;
	v6 =	vld [tilespmem:s1+$0x0]  }
0x14b: {  	s9 =	sor.u32 s18, s17;
	[tilespmem:v5+s26+$0x0] =	vst.idx.add.f32.msk $0xffff, v2  }
0x14c: {  	v5 =	vadd.s32 $0x100, v4;
	v2 =	vld [tilespmem:s9+$0x0];
	_ =	sdelay $0x2  }
0x14d: {  	s3 =	sor.u32 s22, s16;
	[tilespmem:v3+s26+$0x0] =	vst.idx.add.f32.msk $0xffff, v6  }
0x14e: {  	s19 =	sadd.s32 $0xED00, s8;
	v6 =	vadd.s32 $0x80, v3;
	v7 =	vld [tilespmem:s3+$0x0]  }
0x14f: {  	s20 =	sor.u32 s18, s19;
	[tilespmem:v5+s26+$0x0] =	vst.idx.add.f32.msk $0xffff, v2  }
0x150: {  	v5 =	vadd.s32 $0x180, v4;
	v2 =	vld [tilespmem:s20+$0x0];
	_ =	sdelay $0x2  }
0x151: {  	s4 =	sor.u32 s22, s17;
	[tilespmem:v6+s26+$0x0] =	vst.idx.add.f32.msk $0xffff, v7  }
0x152: {  	s21 =	sadd.s32 $0xED80, s8;
	v6 =	vadd.s32 $0x100, v3;
	v7 =	vld [tilespmem:s4+$0x0]  }
0x153: {  	s2 =	sor.u32 s18, s21;
	[tilespmem:v5+s26+$0x0] =	vst.idx.add.f32.msk $0xffff, v2  }
0x154: {  	v5 =	vadd.s32 $0x200, v4;
	v2 =	vld [tilespmem:s2+$0x0];
	_ =	sdelay $0x2  }
0x155: {  	s1 =	sor.u32 s22, s19;
	[tilespmem:v6+s26+$0x0] =	vst.idx.add.f32.msk $0xffff, v7  }
0x156: {  	s10 =	sadd.s32 $0xEE00, s8;
	v6 =	vadd.s32 $0x180, v3;
	v7 =	vld [tilespmem:s1+$0x0]  }
0x157: {  	s11 =	sor.u32 s18, s10;
	[tilespmem:v5+s26+$0x0] =	vst.idx.add.f32.msk $0xffff, v2  }
0x158: {  	v5 =	vadd.s32 $0x280, v4;
	v2 =	vld [tilespmem:s11+$0x0];
	_ =	sdelay $0x2  }
0x159: {  	s3 =	sor.u32 s22, s21;
	[tilespmem:v6+s26+$0x0] =	vst.idx.add.f32.msk $0xffff, v7  }
0x15a: {  	s13 =	sadd.s32 $0xEE80, s8;
	v6 =	vadd.s32 $0x200, v3;
	v7 =	vld [tilespmem:s3+$0x0]  }
0x15b: {  	s14 =	sor.u32 s18, s13;
	[tilespmem:v5+s26+$0x0] =	vst.idx.add.f32.msk $0xffff, v2  }
0x15c: {  	v5 =	vadd.s32 $0x300, v4;
	v2 =	vld [tilespmem:s14+$0x0];
	_ =	sdelay $0x2  }
0x15d: {  	s17 =	sor.u32 s22, s10;
	[tilespmem:v6+s26+$0x0] =	vst.idx.add.f32.msk $0xffff, v7  }
0x15e: {  	s15 =	sadd.s32 $0xEF00, s8;
	v6 =	vadd.s32 $0x280, v3;
	v7 =	vld [tilespmem:s17+$0x0]  }
0x15f: {  	s16 =	sor.u32 s18, s15;
	[tilespmem:v5+s26+$0x0] =	vst.idx.add.f32.msk $0xffff, v2  }
0x160: {  	v5 =	vadd.s32 $0x380, v4;
	v2 =	vld [tilespmem:s16+$0x0];
	_ =	sdelay $0x2  }
0x161: {  	s20 =	simm.s32 $0x100;
	s1 =	sor.u32 s22, s13;
	[tilespmem:v6+s26+$0x0] =	vst.idx.add.f32.msk $0xffff, v7  }
0x162: {  	s10 =	sadd.s32 $0xFB80, s8;
	s4 =	sand.u32 $0xC00, s20;
	s20 =	simm.s32 $0x20;
	v6 =	vadd.s32 $0x300, v3;
	v7 =	vld [tilespmem:s1+$0x0]  }
0x163: {  	s19 =	sor.u32 s18, s10;
	s11 =	sshrl.u32 s4, $0x2;
	s3 =	sand.u32 $0x60, s20;
	[tilespmem:v5+s26+$0x0] =	vst.idx.add.f32.msk $0xffff, v2  }
0x164: {  	s21 =	sadd.s32 $0xC780, s11;
	s17 =	sor.u32 $0x10, s3;
	v5 =	vadd.s32 $0x400, v4;
	v2 =	vld [tilespmem:s19+$0x0]  }
0x165: {  	s11 =	sor.u32 s17, s21  }
0x166: {  	v8 =	vld [tilespmem:s11+$0x0]  }
0x167: {  	s9 =	sor.u32 s22, s15;
	[tilespmem:v6+s26+$0x0] =	vst.idx.add.f32.msk $0xffff, v7  }
0x168: {  	s14 =	sadd.s32 $0xFC00, s8;
	v9 =	vld [tilespmem:s9+$0x0]  }
0x169: {  	s2 =	sor.u32 s18, s14;
	v7 =	vadd.s32 $0x380, v3;
	[tilespmem:v5+s26+$0x0] =	vst.idx.add.f32.msk $0xffff, v2  }
0x16a: {  	s1 =	sor.u32 s3, s21;
	v5 =	vadd.s32 $0x480, v4;
	v2 =	vld [tilespmem:s2+$0x0]  }
0x16b: {  	v6 =	vld [tilespmem:s1+$0x0];
	_ =	sdelay $0x2  }
0x16c: {  	[tilespmem:v7+s26+$0x0] =	vst.idx.add.f32.msk $0xffff, v9  }
0x16d: {  	[tilespmem:v5+s26+$0x0] =	vst.idx.add.f32.msk $0xffff, v2  }
0x16e: {  	s13 =	sadd.s32 $0xFC80, s8;
	s11 =	sor.u32 s22, s10;
	v2 =	vld.idx.msk [tilespmem:v8+s5+$0x0], $0xffff  }
0x16f: {  	s9 =	sor.u32 s18, s13;
	v7 =	vadd.s32 $0x400, v3;
	v8 =	vld [tilespmem:s11+$0x0]  }
0x170: {  	v10 =	vadd.s32 $0x500, v4;
	v5 =	vld [tilespmem:s9+$0x0]  }
0x171: {  	v18 =	vld.idx.msk [tilespmem:v6+s5+$0x0], $0xffff;
	_ =	sdelay $0x2  }
0x172: {  	s11 =	sadd.s32 $0xFD00, s8;
	[tilespmem:v7+s26+$0x0] =	vst.idx.add.f32.msk $0xffff, v8  }
0x173: {  	s15 =	sor.u32 s18, s11;
	[tilespmem:v10+s26+$0x0] =	vst.idx.add.f32.msk $0xffff, v5  }
0x174: {  	s16 =	sadd.s32 $0xEB80, s4;
	v6 =	vadd.s32 $0x580, v4;
	v5 =	vld [tilespmem:s15+$0x0]  }
0x175: {  	s19 =	sor.u32 s17, s16;
	[tilespmem:v2+s25+$0x0] =	vst.idx.add.f32.msk $0xffff, v1  }
0x176: {  	v7 =	vld [tilespmem:s19+$0x0]  }
0x177: {  	s1 =	sor.u32 s3, s16;
	[tilespmem:v18+s25+$0x0] =	vst.idx.add.f32.msk $0xffff, v1  }
0x178: {  	s9 =	sadd.s32 $0xFD80, s8;
	v8 =	vld [tilespmem:s1+$0x0]  }
0x179: {  	s21 =	sor.u32 s18, s9;
	[tilespmem:v6+s26+$0x0] =	vst.idx.add.f32.msk $0xffff, v5  }
0x17a: {  	s2 =	sadd.s32 $0xEC00, s4;
	v6 =	vadd.s32 $0x600, v4;
	v5 =	vld [tilespmem:s21+$0x0]  }
0x17b: {  	s16 =	sor.u32 s17, s2;
	[tilespmem:v2+s26+$0x0] =	vst.idx.add.f32.msk $0xffff, v7  }
0x17c: {  	v9 =	vadd.s32 $0x80, v2;
	v7 =	vld [tilespmem:s16+$0x0]  }
0x17d: {  	s1 =	sor.u32 s3, s2;
	[tilespmem:v18+s26+$0x0] =	vst.idx.add.f32.msk $0xffff, v8  }
0x17e: {  	s10 =	sadd.s32 $0xFE00, s8;
	v8 =	vadd.s32 $0x80, v18;
	v10 =	vld [tilespmem:s1+$0x0]  }
0x17f: {  	s15 =	sor.u32 s18, s10;
	[tilespmem:v6+s26+$0x0] =	vst.idx.add.f32.msk $0xffff, v5  }
0x180: {  	s19 =	sadd.s32 $0xEC80, s4;
	v6 =	vadd.s32 $0x680, v4;
	v5 =	vld [tilespmem:s15+$0x0]  }
0x181: {  	s21 =	sor.u32 s17, s19;
	[tilespmem:v9+s26+$0x0] =	vst.idx.add.f32.msk $0xffff, v7  }
0x182: {  	v9 =	vadd.s32 $0x100, v2;
	v7 =	vld [tilespmem:s21+$0x0]  }
0x183: {  	s1 =	sor.u32 s3, s19;
	[tilespmem:v8+s26+$0x0] =	vst.idx.add.f32.msk $0xffff, v10  }
0x184: {  	v8 =	vadd.s32 $0x100, v18;
	s15 =	sadd.s32 $0xFE80, s8;
	v10 =	vld [tilespmem:s1+$0x0]  }
0x185: {  	s16 =	sor.u32 s18, s15;
	[tilespmem:v6+s26+$0x0] =	vst.idx.add.f32.msk $0xffff, v5  }
0x186: {  	s2 =	sadd.s32 $0xED00, s4;
	v6 =	vadd.s32 $0x700, v4;
	v5 =	vld [tilespmem:s16+$0x0]  }
0x187: {  	s19 =	sor.u32 s17, s2;
	[tilespmem:v9+s26+$0x0] =	vst.idx.add.f32.msk $0xffff, v7  }
0x188: {  	v9 =	vadd.s32 $0x180, v2;
	v7 =	vld [tilespmem:s19+$0x0]  }
0x189: {  	s1 =	sor.u32 s3, s2;
	[tilespmem:v8+s26+$0x0] =	vst.idx.add.f32.msk $0xffff, v10  }
0x18a: {  	s16 =	sadd.s32 $0xFF00, s8;
	v8 =	vld [tilespmem:s1+$0x0]  }
0x18b: {  	s8 =	sor.u32 s18, s16;
	[tilespmem:v6+s26+$0x0] =	vst.idx.add.f32.msk $0xffff, v5;
	v6 =	vadd.s32 $0x180, v18  }
0x18c: {  	s21 =	sadd.s32 $0xED80, s4;
	v4 =	vadd.s32 $0x780, v4;
	v5 =	vld [tilespmem:s8+$0x0]  }
0x18d: {  	s2 =	sor.u32 s17, s21;
	[tilespmem:v9+s26+$0x0] =	vst.idx.add.f32.msk $0xffff, v7  }
0x18e: {  	s14 =	sor.u32 s22, s14;
	v9 =	vadd.s32 $0x200, v2;
	v7 =	vld [tilespmem:s2+$0x0]  }
0x18f: {  	v10 =	vld [tilespmem:s14+$0x0]  }
0x190: {  	v11 =	vadd.s32 $0x480, v3;
	[tilespmem:v6+s26+$0x0] =	vst.idx.add.f32.msk $0xffff, v8  }
0x191: {  	s1 =	sor.u32 s3, s21;
	[tilespmem:v4+s26+$0x0] =	vst.idx.add.f32.msk $0xffff, v5  }
0x192: {  	s18 =	sadd.s32 $0xEE00, s4;
	v4 =	vadd.s32 $0x200, v18;
	v5 =	vld [tilespmem:s1+$0x0]  }
0x193: {  	s19 =	sor.u32 s17, s18;
	[tilespmem:v9+s26+$0x0] =	vst.idx.add.f32.msk $0xffff, v7  }
0x194: {  	v7 =	vadd.s32 $0x280, v2;
	v6 =	vld [tilespmem:s19+$0x0]  }
0x195: {  	s21 =	sor.u32 s22, s13;
	[tilespmem:v11+s26+$0x0] =	vst.idx.add.f32.msk $0xffff, v10  }
0x196: {  	v8 =	vadd.s32 $0x500, v3;
	v9 =	vld [tilespmem:s21+$0x0]  }
0x197: {  	s1 =	sor.u32 s3, s18;
	[tilespmem:v4+s26+$0x0] =	vst.idx.add.f32.msk $0xffff, v5  }
0x198: {  	s2 =	sadd.s32 $0xEE80, s4;
	v4 =	vadd.s32 $0x280, v18;
	v5 =	vld [tilespmem:s1+$0x0]  }
0x199: {  	s13 =	sor.u32 s17, s2;
	[tilespmem:v7+s26+$0x0] =	vst.idx.add.f32.msk $0xffff, v6  }
0x19a: {  	v7 =	vadd.s32 $0x300, v2;
	v6 =	vld [tilespmem:s13+$0x0]  }
0x19b: {  	s14 =	sor.u32 s22, s11;
	[tilespmem:v8+s26+$0x0] =	vst.idx.add.f32.msk $0xffff, v9  }
0x19c: {  	v8 =	vadd.s32 $0x580, v3;
	v9 =	vld [tilespmem:s14+$0x0]  }
0x19d: {  	s1 =	sor.u32 s3, s2;
	[tilespmem:v4+s26+$0x0] =	vst.idx.add.f32.msk $0xffff, v5  }
0x19e: {  	s18 =	sadd.s32 $0xEF00, s4;
	v5 =	vadd.s32 $0x300, v18;
	v10 =	vld [tilespmem:s1+$0x0]  }
0x19f: {  	s19 =	sor.u32 s17, s18;
	[tilespmem:v7+s26+$0x0] =	vst.idx.add.f32.msk $0xffff, v6  }
0x1a0: {  	v20 =	vadd.s32 $0x380, v2;
	v19 =	vld [tilespmem:s19+$0x0]  }
0x1a1: {  	v15 =	vadd.s32 $0x380, v18;
	s21 =	sor.u32 s22, s9;
	[tilespmem:v8+s26+$0x0] =	vst.idx.add.f32.msk $0xffff, v9  }
0x1a2: {  	v13 =	vadd.s32 $0x400, v18;
	v14 =	vadd.s32 $0x600, v18;
	v7 =	vadd.s32 $0x600, v3;
	v17 =	vld [tilespmem:s21+$0x0]  }
0x1a3: {  	v12 =	vadd.s32 $0x680, v18;
	v11 =	vadd.s32 $0x480, v18;
	s8 =	sor.u32 s22, s10;
	v4 =	vadd.s32 $0x700, v3;
	s1 =	sor.u32 s3, s18;
	s18 =	sor.u32 s22, s16;
	[tilespmem:v5+s26+$0x0] =	vst.idx.add.f32.msk $0xffff, v10  }
0x1a4: {  	v9 =	vadd.s32 $0x500, v18;
	v8 =	vadd.s32 $0x580, v18;
	v6 =	vadd.s32 $0x680, v3;
	s21 =	simm.s32 $0x2;
	s19 =	sor.u32 s22, s15;
	s22 =	sadd.s32 $0xFB80, s4;
	v16 =	vld [tilespmem:s1+$0x0]  }
0x1a5: {  	v3 =	vadd.s32 $0x780, v3;
	s9 =	sor.u32 s3, s22;
	s10 =	sor.u32 s17, s22;
	s22 =	simm.s32 $0x200;
	v10 =	vadd.s32 $0x700, v18;
	v5 =	vadd.s32 $0x780, v18;
	[tilespmem:v20+s26+$0x0] =	vst.idx.add.f32.msk $0xffff, v19  }
.LBB2_10:
0x1a6: {  	s13 =	sand.u32 $0xC00, s22;
	v18 =	vld [tilespmem:s10+$0x0];
	v19 =	vadd.s32 $0x400, v2;
	s20 =	sadd.s32 $0x20, s20  }
0x1a7: {  	s21 =	sadd.s32 $0x2, s21;
	s11 =	sand.u32 $0x60, s20;
	s1 =	sshrl.u32 s13, $0x2;
	[tilespmem:v7+s26+$0x0] =	vst.idx.add.f32.msk $0xffff, v17;
	v7 =	vmov v14  }
0x1a8: {  	p0 =	slt.u32 s21, $0x1E;
	s1 =	sadd.s32 $0xC780, s1;
	s14 =	sor.u32 $0x10, s11;
	v14 =	vld [tilespmem:s8+$0x0]  }
0x1a9: {  	s8 =	sor.u32 s11, s1;
	s1 =	sor.u32 s14, s1;
	[tilespmem:v15+s26+$0x0] =	vst.idx.add.f32.msk $0xffff, v16  }
0x1aa: {  	v15 =	vld [tilespmem:s1+$0x0];
	s1 =	sadd.s32 $0xFC00, s4  }
0x1ab: {  	s15 =	sor.u32 s3, s1;
	[tilespmem:v19+s26+$0x0] =	vst.idx.add.f32.msk $0xffff, v18;
	s1 =	sor.u32 s17, s1  }
0x1ac: {  	v17 =	vadd.s32 $0x480, v2;
	v16 =	vld [tilespmem:s1+$0x0]  }
0x1ad: {  	v18 =	vld [tilespmem:s8+$0x0]  }
0x1ae: {  	v19 =	vld [tilespmem:s9+$0x0]  }
0x1af: {  	[tilespmem:v6+s26+$0x0] =	vst.idx.add.f32.msk $0xffff, v14;
	v6 =	vmov v12  }
0x1b0: {  	s1 =	sadd.s32 $0xFC80, s4;
	v12 =	vld [tilespmem:s19+$0x0]  }
0x1b1: {  	s10 =	sor.u32 s3, s1;
	s1 =	sor.u32 s17, s1;
	[tilespmem:v17+s26+$0x0] =	vst.idx.add.f32.msk $0xffff, v16  }
0x1b2: {  	v16 =	vadd.s32 $0x500, v2;
	v14 =	vld [tilespmem:s1+$0x0]  }
0x1b3: {  	v20 =	vld.idx.msk [tilespmem:v15+s5+$0x0], $0xffff  }
0x1b4: {  	[tilespmem:v13+s26+$0x0] =	vst.idx.add.f32.msk $0xffff, v19  }
0x1b5: {  	v19 =	vld.idx.msk [tilespmem:v18+s5+$0x0], $0xffff  }
0x1b6: {  	s1 =	sadd.s32 $0xFD00, s4;
	v21 =	vld [tilespmem:s15+$0x0]  }
0x1b7: {  	s9 =	sor.u32 s3, s1;
	s1 =	sor.u32 s17, s1;
	[tilespmem:v16+s26+$0x0] =	vst.idx.add.f32.msk $0xffff, v14  }
0x1b8: {  	v18 =	vadd.s32 $0x580, v2;
	v14 =	vld [tilespmem:s1+$0x0]  }
0x1b9: {  	[tilespmem:v4+s26+$0x0] =	vst.idx.add.f32.msk $0xffff, v12;
	v4 =	vmov v10  }
0x1ba: {  	s1 =	sadd.s32 $0xEB80, s13;
	v22 =	vld [tilespmem:s18+$0x0]  }
0x1bb: {  	s8 =	sor.u32 s11, s1;
	s1 =	sor.u32 s14, s1;
	v23 =	vadd.s32 $0x80, v19;
	v24 =	vadd.s32 $0x100, v19;
	v25 =	vadd.s32 $0x180, v19;
	[tilespmem:v20+s25+$0x0] =	vst.idx.add.f32.msk $0xffff, v1  }
0x1bc: {  	v26 =	vadd.s32 $0x200, v19;
	v17 =	vadd.s32 $0x280, v19;
	v16 =	vadd.s32 $0x300, v19;
	v27 =	vld [tilespmem:s1+$0x0];
	s1 =	sadd.s32 $0xFD80, s4  }
0x1bd: {  	v15 =	vadd.s32 $0x380, v19;
	v13 =	vadd.s32 $0x400, v19;
	v28 =	vadd.s32 $0x480, v19;
	s15 =	sor.u32 s3, s1;
	[tilespmem:v18+s26+$0x0] =	vst.idx.add.f32.msk $0xffff, v14;
	s1 =	sor.u32 s17, s1  }
0x1be: {  	v31 =	vadd.s32 $0x600, v2;
	v29 =	vadd.s32 $0x500, v19;
	v18 =	vadd.s32 $0x580, v19;
	v30 =	vld [tilespmem:s1+$0x0]  }
0x1bf: {  	v12 =	vadd.s32 $0x680, v19;
	v10 =	vadd.s32 $0x700, v19;
	v14 =	vadd.s32 $0x600, v19;
	[tilespmem:v19+s25+$0x0] =	vst.idx.add.f32.msk $0xffff, v1  }
0x1c0: {  	v33 =	vadd.s32 $0x780, v19;
	s1 =	sadd.s32 $0xEC00, s13;
	v32 =	vld [tilespmem:s8+$0x0]  }
0x1c1: {  	s16 =	sor.u32 s11, s1;
	s1 =	sor.u32 s14, s1;
	[tilespmem:v20+s26+$0x0] =	vst.idx.add.f32.msk $0xffff, v27  }
0x1c2: {  	v34 =	vadd.s32 $0x80, v20;
	v27 =	vld [tilespmem:s1+$0x0];
	s1 =	sadd.s32 $0xFE00, s4  }
0x1c3: {  	s8 =	sor.u32 s3, s1;
	[tilespmem:v31+s26+$0x0] =	vst.idx.add.f32.msk $0xffff, v30;
	s1 =	sor.u32 s17, s1  }
0x1c4: {  	v31 =	vadd.s32 $0x680, v2;
	v30 =	vld [tilespmem:s1+$0x0]  }
0x1c5: {  	[tilespmem:v19+s26+$0x0] =	vst.idx.add.f32.msk $0xffff, v32  }
0x1c6: {  	s1 =	sadd.s32 $0xEC80, s13;
	v19 =	vld [tilespmem:s16+$0x0]  }
0x1c7: {  	s16 =	sor.u32 s11, s1;
	s1 =	sor.u32 s14, s1;
	[tilespmem:v34+s26+$0x0] =	vst.idx.add.f32.msk $0xffff, v27  }
0x1c8: {  	v32 =	vadd.s32 $0x100, v20;
	v27 =	vld [tilespmem:s1+$0x0];
	s1 =	sadd.s32 $0xFE80, s4  }
0x1c9: {  	s19 =	sor.u32 s3, s1;
	[tilespmem:v31+s26+$0x0] =	vst.idx.add.f32.msk $0xffff, v30;
	s1 =	sor.u32 s17, s1  }
0x1ca: {  	v31 =	vadd.s32 $0x700, v2;
	v30 =	vld [tilespmem:s1+$0x0]  }
0x1cb: {  	[tilespmem:v23+s26+$0x0] =	vst.idx.add.f32.msk $0xffff, v19  }
0x1cc: {  	s1 =	sadd.s32 $0xED00, s13;
	v19 =	vld [tilespmem:s16+$0x0]  }
0x1cd: {  	s16 =	sor.u32 s11, s1;
	s1 =	sor.u32 s14, s1;
	[tilespmem:v32+s26+$0x0] =	vst.idx.add.f32.msk $0xffff, v27  }
0x1ce: {  	v27 =	vadd.s32 $0x180, v20;
	v23 =	vld [tilespmem:s1+$0x0];
	s1 =	sadd.s32 $0xFF00, s4;
	s4 =	smov.u32 s13  }
0x1cf: {  	s18 =	sor.u32 s3, s1;
	[tilespmem:v31+s26+$0x0] =	vst.idx.add.f32.msk $0xffff, v30;
	s1 =	sor.u32 s17, s1;
	s3 =	smov.u32 s11  }
0x1d0: {  	v31 =	vadd.s32 $0x780, v2;
	v2 =	vmov v20;
	s17 =	smov.u32 s14;
	v30 =	vld [tilespmem:s1+$0x0]  }
0x1d1: {  	[tilespmem:v24+s26+$0x0] =	vst.idx.add.f32.msk $0xffff, v19  }
0x1d2: {  	s1 =	sadd.s32 $0xED80, s4;
	v19 =	vld [tilespmem:s16+$0x0]  }
0x1d3: {  	s11 =	sor.u32 s3, s1;
	s1 =	sor.u32 s17, s1;
	[tilespmem:v27+s26+$0x0] =	vst.idx.add.f32.msk $0xffff, v23  }
0x1d4: {  	v23 =	vadd.s32 $0x200, v2;
	v20 =	vld [tilespmem:s1+$0x0]  }
0x1d5: {  	[tilespmem:v31+s26+$0x0] =	vst.idx.add.f32.msk $0xffff, v30  }
0x1d6: {  	[tilespmem:v11+s26+$0x0] =	vst.idx.add.f32.msk $0xffff, v21;
	v11 =	vmov v28  }
0x1d7: {  	[tilespmem:v25+s26+$0x0] =	vst.idx.add.f32.msk $0xffff, v19  }
0x1d8: {  	s1 =	sadd.s32 $0xEE00, s4;
	v19 =	vld [tilespmem:s11+$0x0]  }
0x1d9: {  	s11 =	sor.u32 s3, s1;
	s1 =	sor.u32 s17, s1;
	[tilespmem:v23+s26+$0x0] =	vst.idx.add.f32.msk $0xffff, v20  }
0x1da: {  	v21 =	vadd.s32 $0x280, v2;
	v20 =	vld [tilespmem:s1+$0x0]  }
0x1db: {  	v23 =	vld [tilespmem:s10+$0x0]  }
0x1dc: {  	[tilespmem:v3+s26+$0x0] =	vst.idx.add.f32.msk $0xffff, v22;
	v3 =	vmov v5;
	v5 =	vmov v33  }
0x1dd: {  	[tilespmem:v26+s26+$0x0] =	vst.idx.add.f32.msk $0xffff, v19  }
0x1de: {  	s1 =	sadd.s32 $0xEE80, s4;
	v19 =	vld [tilespmem:s11+$0x0]  }
0x1df: {  	s10 =	sor.u32 s3, s1;
	s1 =	sor.u32 s17, s1;
	[tilespmem:v21+s26+$0x0] =	vst.idx.add.f32.msk $0xffff, v20  }
0x1e0: {  	v21 =	vadd.s32 $0x300, v2;
	v20 =	vld [tilespmem:s1+$0x0]  }
0x1e1: {  	[tilespmem:v9+s26+$0x0] =	vst.idx.add.f32.msk $0xffff, v23;
	v9 =	vmov v29  }
0x1e2: {  	v22 =	vld [tilespmem:s9+$0x0]  }
0x1e3: {  	[tilespmem:v17+s26+$0x0] =	vst.idx.add.f32.msk $0xffff, v19  }
0x1e4: {  	s1 =	sadd.s32 $0xEF00, s4;
	v19 =	vld [tilespmem:s10+$0x0]  }
0x1e5: {  	s9 =	sor.u32 s3, s1;
	s1 =	sor.u32 s17, s1;
	[tilespmem:v21+s26+$0x0] =	vst.idx.add.f32.msk $0xffff, v20  }
0x1e6: {  	v21 =	vadd.s32 $0x380, v2;
	v20 =	vld [tilespmem:s1+$0x0]  }
.Ltmp8:
0x1e7: {  	[tilespmem:v8+s26+$0x0] =	vst.idx.add.f32.msk $0xffff, v22;
	v8 =	vmov v18;
	(pc) =	sbr.rel @p0 .LBB2_10-.Ltmp8, $4  }
0x1e8: {  	v17 =	vld [tilespmem:s15+$0x0]  }
0x1e9: {  	[tilespmem:v16+s26+$0x0] =	vst.idx.add.f32.msk $0xffff, v19  }
0x1ea: {  	s1 =	sadd.s32 $0xFB80, s4;
	v16 =	vld [tilespmem:s9+$0x0]  }
0x1eb: {  	s22 =	sadd.s32 $0x100, s22;
	s10 =	sor.u32 s17, s1;
	s9 =	sor.u32 s3, s1;
	[tilespmem:v21+s26+$0x0] =	vst.idx.add.f32.msk $0xffff, v20  }
0x1ec: {  	_ =	sdelay $0x2  }
0x1ed: {  	v18 =	vld [tilespmem:s10+$0x0];
	v19 =	vadd.s32 $0x400, v2  }
0x1ee: {  	[tilespmem:v15+s26+$0x0] =	vst.idx.add.f32.msk $0xffff, v16  }
0x1ef: {  	v15 =	vld [tilespmem:s9+$0x0];
	_ =	sdelay $0x1  }
0x1f0: {  	s1 =	sadd.s32 $0xFC00, s4  }
0x1f1: {  	s21 =	sor.u32 s17, s1;
	[tilespmem:v19+s26+$0x0] =	vst.idx.add.f32.msk $0xffff, v18  }
0x1f2: {  	v51 =	vadd.s32 $0x480, v2;
	v50 =	vld [tilespmem:s21+$0x0]  }
0x1f3: {  	s1 =	sor.u32 s3, s1;
	[tilespmem:v13+s26+$0x0] =	vst.idx.add.f32.msk $0xffff, v15  }
0x1f4: {  	v13 =	vld [tilespmem:s1+$0x0];
	_ =	sdelay $0x1  }
0x1f5: {  	s22 =	sadd.s32 $0xFC80, s4  }
0x1f6: {  	s2 =	sor.u32 s17, s22;
	[tilespmem:v51+s26+$0x0] =	vst.idx.add.f32.msk $0xffff, v50  }
0x1f7: {  	v53 =	vadd.s32 $0x500, v2;
	v52 =	vld [tilespmem:s2+$0x0]  }
0x1f8: {  	s1 =	sor.u32 s3, s22;
	[tilespmem:v11+s26+$0x0] =	vst.idx.add.f32.msk $0xffff, v13  }
0x1f9: {  	v11 =	vld [tilespmem:s1+$0x0];
	_ =	sdelay $0x1  }
0x1fa: {  	s10 =	sadd.s32 $0xFD00, s4  }
0x1fb: {  	s11 =	sor.u32 s17, s10;
	[tilespmem:v53+s26+$0x0] =	vst.idx.add.f32.msk $0xffff, v52  }
0x1fc: {  	v55 =	vadd.s32 $0x580, v2;
	v54 =	vld [tilespmem:s11+$0x0]  }
0x1fd: {  	s1 =	sor.u32 s3, s10;
	[tilespmem:v9+s26+$0x0] =	vst.idx.add.f32.msk $0xffff, v11  }
0x1fe: {  	v9 =	vld [tilespmem:s1+$0x0];
	_ =	sdelay $0x1  }
0x1ff: {  	s13 =	sadd.s32 $0xFD80, s4  }
0x200: {  	s14 =	sor.u32 s17, s13;
	[tilespmem:v55+s26+$0x0] =	vst.idx.add.f32.msk $0xffff, v54  }
0x201: {  	v57 =	vadd.s32 $0x600, v2;
	v56 =	vld [tilespmem:s14+$0x0]  }
0x202: {  	s1 =	sor.u32 s3, s13;
	[tilespmem:v8+s26+$0x0] =	vst.idx.add.f32.msk $0xffff, v9  }
0x203: {  	v8 =	vld [tilespmem:s1+$0x0]  }
0x204: {  	[tilespmem:v7+s26+$0x0] =	vst.idx.add.f32.msk $0xffff, v17  }
0x205: {  	s15 =	sadd.s32 $0xFE00, s4;
	v7 =	vld [tilespmem:s8+$0x0]  }
0x206: {  	s16 =	sor.u32 s17, s15;
	[tilespmem:v57+s26+$0x0] =	vst.idx.add.f32.msk $0xffff, v56  }
0x207: {  	v59 =	vadd.s32 $0x680, v2;
	v58 =	vld [tilespmem:s16+$0x0]  }
0x208: {  	s1 =	sor.u32 s3, s15;
	[tilespmem:v14+s26+$0x0] =	vst.idx.add.f32.msk $0xffff, v8  }
0x209: {  	v8 =	vld [tilespmem:s1+$0x0]  }
0x20a: {  	[tilespmem:v6+s26+$0x0] =	vst.idx.add.f32.msk $0xffff, v7  }
0x20b: {  	s20 =	sadd.s32 $0xFE80, s4;
	v6 =	vld [tilespmem:s19+$0x0]  }
0x20c: {  	s21 =	sor.u32 s17, s20;
	[tilespmem:v59+s26+$0x0] =	vst.idx.add.f32.msk $0xffff, v58  }
0x20d: {  	v61 =	vadd.s32 $0x700, v2;
	v60 =	vld [tilespmem:s21+$0x0]  }
0x20e: {  	s1 =	sor.u32 s3, s20;
	[tilespmem:v12+s26+$0x0] =	vst.idx.add.f32.msk $0xffff, v8  }
0x20f: {  	v8 =	vld [tilespmem:s1+$0x0]  }
0x210: {  	[tilespmem:v4+s26+$0x0] =	vst.idx.add.f32.msk $0xffff, v6  }
0x211: {  	s22 =	sadd.s32 $0xFF00, s4;
	v4 =	vld [tilespmem:s18+$0x0]  }
0x212: {  	s4 =	sor.u32 s17, s22;
	[tilespmem:v61+s26+$0x0] =	vst.idx.add.f32.msk $0xffff, v60  }
0x213: {  	v62 =	vld [tilespmem:s4+$0x0]  }
0x214: {  	v2 =	vadd.s32 $0x780, v2;
	s1 =	sor.u32 s3, s22;
	[tilespmem:v10+s26+$0x0] =	vst.idx.add.f32.msk $0xffff, v8  }
0x215: {  	s0 =	sadd.s32 $0x3, s0;
	v63 =	vld [tilespmem:s1+$0x0]  }
0x216: {  	p0 =	sge.u32 s0, s7  }
0x217: {  	s0 =	sshll.u32 @!p0 s0, $0xE  }
0x218: {  	s0 =	sor.u32 @!p0 s6, s0;
	[tilespmem:v3+s26+$0x0] =	vst.idx.add.f32.msk $0xffff, v4  }
.Ltmp9:
0x219: {  	s3 =	simm.s32 @!p0 $0x0;
	s1 =	sshrl.u32 @!p0 s0, $0x2;
	[tilespmem:v2+s26+$0x0] =	vst.idx.add.f32.msk $0xffff, v62;
	(pc) =	sbr.rel .LBB2_12-.Ltmp9, $4  }
0x21a: {  	s4 =	simm.s32 @!p0 $0xC780;
	s0 =	sadd.s32 @!p0 s23, s0;
	s1 =	sadd.s32 @!p0 s30, s1;
	[tilespmem:v5+s26+$0x0] =	vst.idx.add.f32.msk $0xffff, v63  }
0x21b: {  	[tilespmem:s4], [sflag:$0x2] =	stream.linear.gather @!p0 [hbm4b:s1+s3], $0x400, $0x38;
	[tilespmem:$0x11400] =	vst v63  }
0x21c: {  	s1 =	simm.s32 @!p0 $0x1000;
	s3 =	simm.s32 @!p0 $0xC35000;
	s4 =	simm.s32 @!p0 $0xEB80  }
0x21d: {  	[tilespmem:s4], [sflag:$0x4] =	stream.strided.gather @!p0 [hbm4b:s0+s1], $0x2000, s3, s1, $0x38;
	[tilespmem:$0x11400] =	vst v63  }
.LBB2_14:
0x21e: {  	_ =	sfence.sel $0x180000  }
0x21f: {  	[bflag:$0x0] =	sbarrier.arrive $0xFFFF  }
0x220: {  	_ =	strace $0x90000047  }
0x221: {  	s0 =	stileid.u32;
	[bflag:$0x2] =	sbarrier.arrive $0xFFFF  }
0x222: {  	p0 =	sne.s32 s0, $0x0;
	s0 =	rddreg [dreg:$0x4]  }
0x223: {  	s0 =	sadd.s32 @!p0 $0x100000, s0  }
0x224: {  	[sflag:s0] =	ssyncadd.tile.s32 @!p0 $0x1;
	_ =	shalt  }
.Lfunc_end2:
_tile_overlayer_lowered:
.L_overlay_start_2:
0x225: {  	(tag) =	ssettag $0x2  }
0x226: {  	s0 =	rddreg [dreg:$0x0];
	s2 =	stileid.u32  }
0x227: {  	s1 =	rddreg [dreg:$0x1];
	p0 =	sne.s32 s2, $0x0  }
0x228: {  	s3 =	rddreg [dreg:$0x2];
	[bflag:$0x3] =	sbarrier.arrive $0xFFFF;
	s2 =	simm.s32 @!p0 $0x1C05  }
0x229: {  	[timem:s3], [sflag:s2] =	dma.local @!p0 [hbm:s0], s1  }
0x22a: {  	s0 =	simm.s32 @!p0 $0x5  }
0x22b: {  	_ =	swait.ge @!p0 [sflag:s0], s1  }
0x22c: {  	s1 =	ssub.s32 @!p0 $0x0, s1;
	[sflag:s0] =	ssyncset.done @!p0 $0x0  }
0x22d: {  	[sflag:s0] =	ssyncadd.s32 @!p0 s1  }
0x22e: {  	[bflag:$0x3] =	sbarrier.arrive $0xFFFF  }
0x22f: {  	_ =	shalt  }

</sc_bundles>
